<compile_context>
chip_gen: v7x
topology: tpu7x:2x2x1
jax: 0.10.2.dev20260603
libtpu: 0.0.44.dev20260713+nightly
codegen_flags: <defaults>
</compile_context>

<pallas_src>
import functools

import numpy as np
import jax
import jax.numpy as jnp
from jax import lax
from jax.experimental import pallas as pl
from jax.experimental.pallas import tpu as pltpu
from jax.experimental.pallas import tpu_sc as plsc

PRE_NMS_TOPK = 2000
MAX_OUT = 500
THR2 = np.float32(1.1 ** 2)
H = W = 128
BLK = 2048
PPAD = 16520


SLAB = 18 * 1536
ZOFF = SLAB


def _sc_im2col_kernel(src_hbm, out_hbm, slab_v, buf_v):
    wid = lax.axis_index("s") * 2 + lax.axis_index("c")
    pltpu.sync_copy(src_hbm.at[pl.ds(wid * 24576, SLAB)],
                    slab_v.at[pl.ds(0, SLAB)])
    zv = jnp.zeros((16,), jnp.float32)
    slab_v[pl.ds(ZOFF, 16)] = zv

    def clear(g, _):
        for u in range(16):
            buf_v[pl.ds(g * 256 + u * 16, 16)] = zv
        return 0

    lax.fori_loop(0, 256, clear, 0)
    ii = lax.iota(jnp.int32, 16)

    def plane(P, _):
        p, q = P // 2, P % 2

        def tap(t, _):
            i2l = t // 9
            di = (t % 9) // 3
            dj = t % 3
            rl = 4 * i2l + 2 * p + di
            for c in range(3):
                for g in range(8):
                    j2 = g * 16 + ii
                    jj = 4 * j2 + 2 * q + dj
                    gidx = jnp.where(jj >= 512,
                                     ZOFF + ii, rl * 1536 + jj * 3 + c)
                    v = plsc.load_gather(slab_v, [gidx])
                    sidx = (i2l * 128 + j2) * 128 + (di * 9 + dj * 3 + c)
                    plsc.store_scatter(buf_v, [sidx], v)
            return 0

        lax.fori_loop(0, 36, tap, 0)
        pltpu.sync_copy(
            buf_v, out_hbm.at[pl.ds(P * 2097152 + wid * 65536, 65536)])
        return 0

    lax.fori_loop(0, 4, plane, 0)


@functools.cache
def _sc_im2col():
    return pl.kernel(
        _sc_im2col_kernel,
        out_type=jax.ShapeDtypeStruct((8388608,), jnp.float32),
        mesh=plsc.VectorSubcoreMesh(core_axis_name="c", subcore_axis_name="s"),
        scratch_types=[pltpu.VMEM((SLAB + 16,), jnp.float32),
                       pltpu.VMEM((65536,), jnp.float32)],
        compiler_params=pltpu.CompilerParams(needs_layout_passes=False),
    )


def _conv1_kernel(p_ref, w_ref, o_ref):
    o_ref[...] = jnp.maximum(
        jnp.dot(p_ref[...], w_ref[...], preferred_element_type=jnp.float32), 0.0)


def _conv2_head_kernel(f00, f01, f10, f11, w2_ref, w3_ref,
                       os_ref, oy_ref, ox_ref):
    base = pl.program_id(0) * BLK
    planes = ((f00, f01), (f10, f11))
    r_loc = lax.broadcasted_iota(jnp.int32, (BLK, 64), 0)
    jmask = (r_loc % W) != (W - 1)
    acc = jnp.zeros((BLK, 64), jnp.float32)
    for di in range(3):
        for dj in range(3):
            shift = (di >> 1) * W + (dj >> 1)
            sl = planes[di & 1][dj & 1][pl.ds(base + shift, BLK), :]
            if dj >> 1:
                sl = jnp.where(jmask, sl, 0.0)
            wtap = w2_ref[pl.ds(64 * (di * 3 + dj), 64), :]
            acc = acc + jnp.dot(sl, wtap, preferred_element_type=jnp.float32)
    h = jnp.maximum(acc, 0.0)
    g = jnp.dot(h, w3_ref[...], preferred_element_type=jnp.float32)

    rg = base + lax.broadcasted_iota(jnp.int32, (BLK, 1), 0)
    sval = 1.0 / (1.0 + jnp.exp(-g[:, 0:1]))
    yval = g[:, 1:2] + (jnp.floor_divide(rg, W).astype(jnp.float32) + 0.5)
    xval = g[:, 2:3] + (jnp.remainder(rg, W).astype(jnp.float32) + 0.5)

    r2 = lax.broadcasted_iota(jnp.int32, (BLK, W), 0)
    lane = lax.broadcasted_iota(jnp.int32, (BLK, W), 1)
    bsel = (r2 % W) == lane
    arow = lax.broadcasted_iota(jnp.int32, (BLK // W, BLK), 1)
    asel = (jnp.floor_divide(arow, W) ==
            lax.broadcasted_iota(jnp.int32, (BLK // W, BLK), 0)).astype(jnp.float32)
    for val, ref in ((sval, os_ref), (yval, oy_ref), (xval, ox_ref)):
        m = jnp.where(bsel, val, 0.0)
        ref[...] = jnp.dot(asel, m, preferred_element_type=jnp.float32,
                           precision=lax.Precision.HIGHEST)


def _nms_kernel(s_ref, y_ref, x_ref, o_ref, w_ref):
    s = s_ref[...]
    Y = y_ref[...]
    X = x_ref[...]
    sbits = lax.bitcast_convert_type(s, jnp.int32)

    def bs_body(_, carry):
        lo, hi = carry
        mid = (lo + hi) // 2
        c = jnp.sum((sbits >= mid).astype(jnp.int32))
        big = c >= PRE_NMS_TOPK
        return jnp.where(big, mid, lo), jnp.where(big, hi, mid)

    lo, _ = lax.fori_loop(0, 31, bs_body,
                          (jnp.int32(0), jnp.int32(0x3F800001)))

    cnt_gt = jnp.sum((sbits > lo).astype(jnp.int32))
    quota = (PRE_NMS_TOPK - cnt_gt).astype(jnp.float32)
    eqf = (sbits == lo).astype(jnp.float32)
    r_i = lax.broadcasted_iota(jnp.int32, (H, W), 0)
    c_i = lax.broadcasted_iota(jnp.int32, (H, W), 1)
    lt = (r_i <= c_i).astype(jnp.float32)
    sl = (c_i < r_i).astype(jnp.float32)
    ones = jnp.ones((H, W), jnp.float32)
    cum_in = jnp.dot(eqf, lt, preferred_element_type=jnp.float32,
                     precision=lax.Precision.HIGHEST)
    rsmat = jnp.dot(eqf, ones, preferred_element_type=jnp.float32,
                    precision=lax.Precision.HIGHEST)
    pr = jnp.dot(sl, rsmat, preferred_element_type=jnp.float32,
                 precision=lax.Precision.HIGHEST)
    pexcl = cum_in - eqf + pr
    elig = (sbits > lo) | ((sbits == lo) & (pexcl < quota))
    w_ref[...] = jnp.where(elig, s, -1.0)

    idx = r_i * W + c_i

    def nms_body(k, _):
        wv = w_ref[...]
        m = jnp.max(wv)
        cand = jnp.where(wv == m, idx, jnp.int32(1 << 30))
        isel = jnp.min(cand)
        oh = idx == isel
        ysel = jnp.sum(jnp.where(oh, Y, 0.0))
        xsel = jnp.sum(jnp.where(oh, X, 0.0))
        dy = Y - ysel
        dx = X - xsel
        d2 = dy * dy + dx * dx
        w_ref[...] = jnp.where(d2 <= THR2, -1.0, wv)
        valid = m > 0.0
        outs = jnp.where(valid, m, -1.0)
        outy = jnp.where(valid, ysel * 4.0, -1.0)
        outx = jnp.where(valid, xsel * 4.0, -1.0)
        lane = lax.broadcasted_iota(jnp.int32, (1, 128), 1)
        row = jnp.where(lane == 0, outs, jnp.where(lane == 1, outy, outx))
        o_ref[pl.ds(k, 1), :] = row
        return 0

    lax.fori_loop(0, MAX_OUT, nms_body, 0)


def kernel(image, W1, W2, Wscore, Wreg):
    xsrc = jnp.concatenate(
        [image.reshape(786432), jnp.zeros(24576, jnp.float32)])
    p1 = _sc_im2col()(xsrc).reshape(65536, 128)
    w1 = jnp.pad(W1.reshape(27, 64), ((0, 101), (0, 0)))

    f1p = pl.pallas_call(
        _conv1_kernel,
        grid=(16,),
        in_specs=[pl.BlockSpec((4096, 128), lambda i: (i, 0)),
                  pl.BlockSpec((128, 64), lambda i: (0, 0))],
        out_specs=pl.BlockSpec((4096, 64), lambda i: (i, 0)),
        out_shape=jax.ShapeDtypeStruct((65536, 64), jnp.float32),
    )(p1, w1)

    fp = jnp.pad(f1p.reshape(4, 16384, 64),
                 ((0, 0), (0, PPAD - 16384), (0, 0)))
    w2 = W2.reshape(576, 64)
    w3 = jnp.pad(jnp.concatenate([Wscore[0, 0], Wreg[0, 0]], axis=1),
                 ((0, 0), (0, 125)))

    full = lambda shape: pl.BlockSpec(shape, lambda i: tuple(0 for _ in shape))
    s, yv, xv = pl.pallas_call(
        _conv2_head_kernel,
        grid=(16384 // BLK,),
        in_specs=[full((PPAD, 64))] * 4 + [full((576, 64)), full((64, 128))],
        out_specs=[pl.BlockSpec((BLK // W, W), lambda i: (i, 0))] * 3,
        out_shape=[jax.ShapeDtypeStruct((H, W), jnp.float32)] * 3,
    )(fp[0], fp[1], fp[2], fp[3], w2, w3)

    out = pl.pallas_call(
        _nms_kernel,
        out_shape=jax.ShapeDtypeStruct((512, 128), jnp.float32),
        scratch_shapes=[pltpu.VMEM((H, W), jnp.float32)],
    )(s, yv, xv)

    return out[:MAX_OUT, :3][None]

# --- scband reference (transcript-rebuilt; emitter-appended) ---
"""Pipeline reference for scband-lacss-model-33105607918282 (READ-ONLY COPY).

The authoritative reference and input builder live on the scoring server;
editing this copy changes nothing except your own understanding.
"""

import jax, jax.numpy as jnp
import numpy as np
from jax import lax

DETECTION_PRE_NMS_TOPK = 2000
DETECTION_MAX_OUTPUT = 500
DETECTION_NMS_THRESHOLD = 1.1


def conv2d(x, w, stride):
    return lax.conv_general_dilated(x, w, (stride, stride), 'SAME',
                                    dimension_numbers=('NHWC', 'HWIO', 'NHWC'))


def setup_inputs(seed: int = 0):
    key = jax.random.key(seed)
    ks = jax.random.split(key, 5)
    image = jax.random.normal(ks[0], (1, 512, 512, 3), jnp.float32)
    W1 = jax.random.normal(ks[1], (3, 3, 3, 64), jnp.float32) * 0.1
    W2 = jax.random.normal(ks[2], (3, 3, 64, 64), jnp.float32) * 0.05
    Wscore = jax.random.normal(ks[3], (1, 1, 64, 1), jnp.float32) * 0.1
    Wreg = jax.random.normal(ks[4], (1, 1, 64, 2), jnp.float32) * 0.1
    return {'image': image, 'W1': W1, 'W2': W2, 'Wscore': Wscore, 'Wreg': Wreg}


def nms_loop(scores, locs):
    # greedy point-NMS: repeatedly pick highest score, suppress candidates
    # within distance_threshold (in feature-grid units)
    thr2 = DETECTION_NMS_THRESHOLD ** 2

    def step(s, _):
        i = jnp.argmax(s)
        sel_s = s[i]
        sel_l = locs[i]
        valid = sel_s > 0.0
        d2 = jnp.sum((locs - sel_l[None, :]) ** 2, axis=-1)
        s = jnp.where(d2 <= thr2, -1.0, s)
        out_s = jnp.where(valid, sel_s, -1.0)
        out_l = jnp.where(valid, sel_l, jnp.full((2,), -1.0, locs.dtype))
        return s, (out_s, out_l)

    _, (out_s, out_l) = lax.scan(step, scores, None, length=DETECTION_MAX_OUTPUT)
    return out_s, out_l


def reference(image, W1, W2, Wscore, Wreg):
    # backbone (stand-in): two strided convs
    f1 = jax.nn.relu(conv2d(image, W1, 2))   # segmentation features [B,256,256,64]
    f2 = jax.nn.relu(conv2d(f1, W2, 2))      # detection features   [B,128,128,64]
    # detection head: per-pixel score + 2d offset regression
    scores_out = jax.nn.sigmoid(conv2d(f2, Wscore, 1))[..., 0]  # [B,h,w]
    reg_out = conv2d(f2, Wreg, 1)                               # [B,h,w,2]
    B, h, w = scores_out.shape
    yy, xx = jnp.meshgrid(jnp.arange(h, dtype=jnp.float32),
                          jnp.arange(w, dtype=jnp.float32), indexing='ij')
    grid = jnp.stack([yy, xx], axis=-1) + 0.5
    locs = grid[None] + reg_out              # grid-unit point locations
    flat_scores = scores_out.reshape(B, h * w)
    flat_locs = locs.reshape(B, h * w, 2)
    # proposal_locations: pre-NMS top-k then greedy distance NMS
    top_s, top_i = lax.top_k(flat_scores, DETECTION_PRE_NMS_TOPK)
    top_l = jnp.take_along_axis(flat_locs, top_i[..., None], axis=1)
    nms_s, nms_l = jax.vmap(nms_loop)(top_s, top_l)  # [B,500], [B,500,2]
    # normalize then scale to image coords; keep -1 padding (to_tensor(-1))
    H, W = image.shape[1], image.shape[2]
    norm_l = nms_l / jnp.array([h, w], jnp.float32)
    valid = nms_s[..., None] > 0.0
    pred_locations = jnp.where(valid, norm_l * jnp.array([H, W], jnp.float32), -1.0)
    return jnp.concatenate([nms_s[..., None], pred_locations], axis=-1)  # [B,500,3]

if __name__ == "__main__":
    import jax
    _d = setup_inputs()
    print(jax.jit(kernel)(*tuple(_d.values())))

</pallas_src>

<mosaic_0001>
#map = affine_map<(d0, d1) -> (0)>
module attributes {stable_mosaic.version = 14 : i64} {
  func.func @_sc_im2col_kernel(%arg0: i32, %arg1: i32, %arg2: memref<811008xf32, #tpu.memory_space<hbm>>, %arg3: memref<8388608xf32, #tpu.memory_space<hbm>>, %arg4: memref<27664xf32, #tpu.memory_space<vmem>>, %arg5: memref<65536xf32, #tpu.memory_space<vmem>>) attributes {dimension_semantics = [#tpu.dimension_semantics<core_parallel>, #tpu.dimension_semantics<subcore_parallel>], iteration_bounds = array<i64: 2, 16>, scalar_prefetch = 0 : i64, scratch_operands = 2 : i64, tpu.core_type = #tpu.core_type<sc_vector_subcore>, window_params = [{transform_indices = #map}, {transform_indices = #map}]} {
    %mul3A = arith.constant 2 : i32
    %mul3A_0 = arith.muli %arg1, %mul3A : i32
    %add3A = arith.addi %mul3A_0, %arg0 : i32
    %mul3A_1 = arith.constant 24576 : i32
    %mul3A_2 = arith.muli %add3A, %mul3A_1 : i32
    "tpu.region"() ({
      %run_scoped3A = tpu.sem_alloc : memref<!tpu.dma_semaphore, #tpu.memory_space<semaphore_mem>>
      %dma_start3A = arith.constant 0 : i32
      %dma_start3A_18 = tpu.memref_slice %arg4[%dma_start3A] : memref<27664xf32, #tpu.memory_space<vmem>> -> memref<27648xf32, #tpu.memory_space<vmem>>
      %dma_start3A_19 = tpu.memref_slice %arg2[%mul3A_2] : memref<811008xf32, #tpu.memory_space<hbm>> -> memref<27648xf32, #tpu.memory_space<hbm>>
      %dma_start3A_20 = arith.constant 0 : i32
      %dma_start3A_21 = tpu.memref_slice %arg4[%dma_start3A_20] : memref<27664xf32, #tpu.memory_space<vmem>> -> memref<27648xf32, #tpu.memory_space<vmem>>
      %dma_start3A_22 = tpu.memref_slice %arg2[%mul3A_2] : memref<811008xf32, #tpu.memory_space<hbm>> -> memref<27648xf32, #tpu.memory_space<hbm>>
      tpu.enqueue_dma source(%dma_start3A_22 : memref<27648xf32, #tpu.memory_space<hbm>>) target(%dma_start3A_21 : memref<27648xf32, #tpu.memory_space<vmem>>) target_semaphore(%run_scoped3A : memref<!tpu.dma_semaphore, #tpu.memory_space<semaphore_mem>>)
      %dma_wait3A = arith.constant 0 : i32
      %dma_wait3A_23 = tpu.memref_slice %arg4[%dma_wait3A] : memref<27664xf32, #tpu.memory_space<vmem>> -> memref<27648xf32, #tpu.memory_space<vmem>>
      %dma_wait3A_24 = tpu.memref_slice %arg2[%mul3A_2] : memref<811008xf32, #tpu.memory_space<hbm>> -> memref<27648xf32, #tpu.memory_space<hbm>>
      %dma_wait3A_25 = arith.constant 0 : i32
      %dma_wait3A_26 = tpu.memref_slice %arg4[%dma_wait3A_25] : memref<27664xf32, #tpu.memory_space<vmem>> -> memref<27648xf32, #tpu.memory_space<vmem>>
      %dma_wait3A_27 = tpu.memref_slice %arg2[%mul3A_2] : memref<811008xf32, #tpu.memory_space<hbm>> -> memref<27648xf32, #tpu.memory_space<hbm>>
      tpu.wait_dma2 semaphore(%run_scoped3A : memref<!tpu.dma_semaphore, #tpu.memory_space<semaphore_mem>>) src(%dma_wait3A_27 : memref<27648xf32, #tpu.memory_space<hbm>>) dst(%dma_wait3A_26 : memref<27648xf32, #tpu.memory_space<vmem>>)
      tpu.yield
    }) : () -> ()
    %broadcast_in_dim3A = arith.constant 0.000000e+00 : f32
    %broadcast_in_dim3A_3 = vector.broadcast %broadcast_in_dim3A : f32 to vector<16xf32>
    %swap3A = arith.constant 27648 : index
    %swap3A_4 = tpu.vector_load %arg4[%swap3A] {strides = array<i32>} : memref<27664xf32, #tpu.memory_space<vmem>>, vector<16xf32>,
    tpu.vector_store %arg4[%swap3A], %broadcast_in_dim3A_3 {strides = array<i32>} : memref<27664xf32, #tpu.memory_space<vmem>>, vector<16xf32>,
    %scan3A = arith.constant 0 : i32
    %scan3A_5 = arith.constant 0 : i32
    %scan3A_6 = arith.constant 256 : i32
    %scan3A_7 = arith.addi %scan3A_5, %scan3A_6 : i32
    %scan3A_8 = arith.constant 1 : i32
    %scan3A_9 = scf.for %scan3A_18 = %scan3A_5 to %scan3A_7 step %scan3A_8 iter_args(%scan3A_19 = %scan3A) -> (i32)  : i32 {
      %mul3A_20 = arith.constant 256 : i32
      %mul3A_21 = arith.muli %scan3A_18, %mul3A_20 : i32
      %add3A_22 = arith.constant 0 : i32
      %add3A_23 = arith.addi %mul3A_21, %add3A_22 : i32
      %swap3A_24 = arith.index_cast %add3A_23 : i32 to index
      %swap3A_25 = tpu.vector_load %arg5[%swap3A_24] {strides = array<i32>} : memref<65536xf32, #tpu.memory_space<vmem>>, vector<16xf32>,
      tpu.vector_store %arg5[%swap3A_24], %broadcast_in_dim3A_3 {strides = array<i32>} : memref<65536xf32, #tpu.memory_space<vmem>>, vector<16xf32>,
      %mul3A_26 = arith.constant 256 : i32
      %mul3A_27 = arith.muli %scan3A_18, %mul3A_26 : i32
      %add3A_28 = arith.constant 16 : i32
      %add3A_29 = arith.addi %mul3A_27, %add3A_28 : i32
      %swap3A_30 = arith.index_cast %add3A_29 : i32 to index
      %swap3A_31 = tpu.vector_load %arg5[%swap3A_30] {strides = array<i32>} : memref<65536xf32, #tpu.memory_space<vmem>>, vector<16xf32>,
      tpu.vector_store %arg5[%swap3A_30], %broadcast_in_dim3A_3 {strides = array<i32>} : memref<65536xf32, #tpu.memory_space<vmem>>, vector<16xf32>,
      %mul3A_32 = arith.constant 256 : i32
      %mul3A_33 = arith.muli %scan3A_18, %mul3A_32 : i32
      %add3A_34 = arith.constant 32 : i32
      %add3A_35 = arith.addi %mul3A_33, %add3A_34 : i32
      %swap3A_36 = arith.index_cast %add3A_35 : i32 to index
      %swap3A_37 = tpu.vector_load %arg5[%swap3A_36] {strides = array<i32>} : memref<65536xf32, #tpu.memory_space<vmem>>, vector<16xf32>,
      tpu.vector_store %arg5[%swap3A_36], %broadcast_in_dim3A_3 {strides = array<i32>} : memref<65536xf32, #tpu.memory_space<vmem>>, vector<16xf32>,
      %mul3A_38 = arith.constant 256 : i32
      %mul3A_39 = arith.muli %scan3A_18, %mul3A_38 : i32
      %add3A_40 = arith.constant 48 : i32
      %add3A_41 = arith.addi %mul3A_39, %add3A_40 : i32
      %swap3A_42 = arith.index_cast %add3A_41 : i32 to index
      %swap3A_43 = tpu.vector_load %arg5[%swap3A_42] {strides = array<i32>} : memref<65536xf32, #tpu.memory_space<vmem>>, vector<16xf32>,
      tpu.vector_store %arg5[%swap3A_42], %broadcast_in_dim3A_3 {strides = array<i32>} : memref<65536xf32, #tpu.memory_space<vmem>>, vector<16xf32>,
      %mul3A_44 = arith.constant 256 : i32
      %mul3A_45 = arith.muli %scan3A_18, %mul3A_44 : i32
      %add3A_46 = arith.constant 64 : i32
      %add3A_47 = arith.addi %mul3A_45, %add3A_46 : i32
      %swap3A_48 = arith.index_cast %add3A_47 : i32 to index
      %swap3A_49 = tpu.vector_load %arg5[%swap3A_48] {strides = array<i32>} : memref<65536xf32, #tpu.memory_space<vmem>>, vector<16xf32>,
      tpu.vector_store %arg5[%swap3A_48], %broadcast_in_dim3A_3 {strides = array<i32>} : memref<65536xf32, #tpu.memory_space<vmem>>, vector<16xf32>,
      %mul3A_50 = arith.constant 256 : i32
      %mul3A_51 = arith.muli %scan3A_18, %mul3A_50 : i32
      %add3A_52 = arith.constant 80 : i32
      %add3A_53 = arith.addi %mul3A_51, %add3A_52 : i32
      %swap3A_54 = arith.index_cast %add3A_53 : i32 to index
      %swap3A_55 = tpu.vector_load %arg5[%swap3A_54] {strides = array<i32>} : memref<65536xf32, #tpu.memory_space<vmem>>, vector<16xf32>,
      tpu.vector_store %arg5[%swap3A_54], %broadcast_in_dim3A_3 {strides = array<i32>} : memref<65536xf32, #tpu.memory_space<vmem>>, vector<16xf32>,
      %mul3A_56 = arith.constant 256 : i32
      %mul3A_57 = arith.muli %scan3A_18, %mul3A_56 : i32
      %add3A_58 = arith.constant 96 : i32
      %add3A_59 = arith.addi %mul3A_57, %add3A_58 : i32
      %swap3A_60 = arith.index_cast %add3A_59 : i32 to index
      %swap3A_61 = tpu.vector_load %arg5[%swap3A_60] {strides = array<i32>} : memref<65536xf32, #tpu.memory_space<vmem>>, vector<16xf32>,
      tpu.vector_store %arg5[%swap3A_60], %broadcast_in_dim3A_3 {strides = array<i32>} : memref<65536xf32, #tpu.memory_space<vmem>>, vector<16xf32>,
      %mul3A_62 = arith.constant 256 : i32
      %mul3A_63 = arith.muli %scan3A_18, %mul3A_62 : i32
      %add3A_64 = arith.constant 112 : i32
      %add3A_65 = arith.addi %mul3A_63, %add3A_64 : i32
      %swap3A_66 = arith.index_cast %add3A_65 : i32 to index
      %swap3A_67 = tpu.vector_load %arg5[%swap3A_66] {strides = array<i32>} : memref<65536xf32, #tpu.memory_space<vmem>>, vector<16xf32>,
      tpu.vector_store %arg5[%swap3A_66], %broadcast_in_dim3A_3 {strides = array<i32>} : memref<65536xf32, #tpu.memory_space<vmem>>, vector<16xf32>,
      %mul3A_68 = arith.constant 256 : i32
      %mul3A_69 = arith.muli %scan3A_18, %mul3A_68 : i32
      %add3A_70 = arith.constant 128 : i32
      %add3A_71 = arith.addi %mul3A_69, %add3A_70 : i32
      %swap3A_72 = arith.index_cast %add3A_71 : i32 to index
      %swap3A_73 = tpu.vector_load %arg5[%swap3A_72] {strides = array<i32>} : memref<65536xf32, #tpu.memory_space<vmem>>, vector<16xf32>,
      tpu.vector_store %arg5[%swap3A_72], %broadcast_in_dim3A_3 {strides = array<i32>} : memref<65536xf32, #tpu.memory_space<vmem>>, vector<16xf32>,
      %mul3A_74 = arith.constant 256 : i32
      %mul3A_75 = arith.muli %scan3A_18, %mul3A_74 : i32
      %add3A_76 = arith.constant 144 : i32
      %add3A_77 = arith.addi %mul3A_75, %add3A_76 : i32
      %swap3A_78 = arith.index_cast %add3A_77 : i32 to index
      %swap3A_79 = tpu.vector_load %arg5[%swap3A_78] {strides = array<i32>} : memref<65536xf32, #tpu.memory_space<vmem>>, vector<16xf32>,
      tpu.vector_store %arg5[%swap3A_78], %broadcast_in_dim3A_3 {strides = array<i32>} : memref<65536xf32, #tpu.memory_space<vmem>>, vector<16xf32>,
      %mul3A_80 = arith.constant 256 : i32
      %mul3A_81 = arith.muli %scan3A_18, %mul3A_80 : i32
      %add3A_82 = arith.constant 160 : i32
      %add3A_83 = arith.addi %mul3A_81, %add3A_82 : i32
      %swap3A_84 = arith.index_cast %add3A_83 : i32 to index
      %swap3A_85 = tpu.vector_load %arg5[%swap3A_84] {strides = array<i32>} : memref<65536xf32, #tpu.memory_space<vmem>>, vector<16xf32>,
      tpu.vector_store %arg5[%swap3A_84], %broadcast_in_dim3A_3 {strides = array<i32>} : memref<65536xf32, #tpu.memory_space<vmem>>, vector<16xf32>,
      %mul3A_86 = arith.constant 256 : i32
      %mul3A_87 = arith.muli %scan3A_18, %mul3A_86 : i32
      %add3A_88 = arith.constant 176 : i32
      %add3A_89 = arith.addi %mul3A_87, %add3A_88 : i32
      %swap3A_90 = arith.index_cast %add3A_89 : i32 to index
      %swap3A_91 = tpu.vector_load %arg5[%swap3A_90] {strides = array<i32>} : memref<65536xf32, #tpu.memory_space<vmem>>, vector<16xf32>,
      tpu.vector_store %arg5[%swap3A_90], %broadcast_in_dim3A_3 {strides = array<i32>} : memref<65536xf32, #tpu.memory_space<vmem>>, vector<16xf32>,
      %mul3A_92 = arith.constant 256 : i32
      %mul3A_93 = arith.muli %scan3A_18, %mul3A_92 : i32
      %add3A_94 = arith.constant 192 : i32
      %add3A_95 = arith.addi %mul3A_93, %add3A_94 : i32
      %swap3A_96 = arith.index_cast %add3A_95 : i32 to index
      %swap3A_97 = tpu.vector_load %arg5[%swap3A_96] {strides = array<i32>} : memref<65536xf32, #tpu.memory_space<vmem>>, vector<16xf32>,
      tpu.vector_store %arg5[%swap3A_96], %broadcast_in_dim3A_3 {strides = array<i32>} : memref<65536xf32, #tpu.memory_space<vmem>>, vector<16xf32>,
      %mul3A_98 = arith.constant 256 : i32
      %mul3A_99 = arith.muli %scan3A_18, %mul3A_98 : i32
      %add3A_100 = arith.constant 208 : i32
      %add3A_101 = arith.addi %mul3A_99, %add3A_100 : i32
      %swap3A_102 = arith.index_cast %add3A_101 : i32 to index
      %swap3A_103 = tpu.vector_load %arg5[%swap3A_102] {strides = array<i32>} : memref<65536xf32, #tpu.memory_space<vmem>>, vector<16xf32>,
      tpu.vector_store %arg5[%swap3A_102], %broadcast_in_dim3A_3 {strides = array<i32>} : memref<65536xf32, #tpu.memory_space<vmem>>, vector<16xf32>,
      %mul3A_104 = arith.constant 256 : i32
      %mul3A_105 = arith.muli %scan3A_18, %mul3A_104 : i32
      %add3A_106 = arith.constant 224 : i32
      %add3A_107 = arith.addi %mul3A_105, %add3A_106 : i32
      %swap3A_108 = arith.index_cast %add3A_107 : i32 to index
      %swap3A_109 = tpu.vector_load %arg5[%swap3A_108] {strides = array<i32>} : memref<65536xf32, #tpu.memory_space<vmem>>, vector<16xf32>,
      tpu.vector_store %arg5[%swap3A_108], %broadcast_in_dim3A_3 {strides = array<i32>} : memref<65536xf32, #tpu.memory_space<vmem>>, vector<16xf32>,
      %mul3A_110 = arith.constant 256 : i32
      %mul3A_111 = arith.muli %scan3A_18, %mul3A_110 : i32
      %add3A_112 = arith.constant 240 : i32
      %add3A_113 = arith.addi %mul3A_111, %add3A_112 : i32
      %swap3A_114 = arith.index_cast %add3A_113 : i32 to index
      %swap3A_115 = tpu.vector_load %arg5[%swap3A_114] {strides = array<i32>} : memref<65536xf32, #tpu.memory_space<vmem>>, vector<16xf32>,
      tpu.vector_store %arg5[%swap3A_114], %broadcast_in_dim3A_3 {strides = array<i32>} : memref<65536xf32, #tpu.memory_space<vmem>>, vector<16xf32>,
      %scan3A_116 = arith.constant 0 : i32
      scf.yield %scan3A_116 : i32
    }
    %scan3A_10 = arith.constant 256 : i32
    %iota3A = tpu.iota {dimensions = array<i32: 0>} : vector<16xi32>
    %scan3A_11 = arith.constant 0 : i32
    %scan3A_12 = arith.constant 0 : i32
    %scan3A_13 = arith.constant 4 : i32
    %scan3A_14 = arith.addi %scan3A_12, %scan3A_13 : i32
    %scan3A_15 = arith.constant 1 : i32
    %scan3A_16 = scf.for %scan3A_18 = %scan3A_12 to %scan3A_14 step %scan3A_15 iter_args(%scan3A_19 = %scan3A_11) -> (i32)  : i32 {
      %jit3A = arith.constant 2 : i32
      %div3A = arith.divsi %scan3A_18, %jit3A : i32
      %sign3A = arith.constant 0 : i32
      %sign3A_20 = arith.cmpi sgt, %scan3A_18, %sign3A : i32
      %sign3A_21 = arith.extui %sign3A_20 : i1 to i32
      %sign3A_22 = arith.constant 0 : i32
      %sign3A_23 = arith.cmpi slt, %scan3A_18, %sign3A_22 : i32
      %sign3A_24 = arith.extui %sign3A_23 : i1 to i32
      %sign3A_25 = arith.subi %sign3A_21, %sign3A_24 : i32
      %sign3A_26 = arith.constant 0 : i32
      %sign3A_27 = arith.cmpi sgt, %jit3A, %sign3A_26 : i32
      %sign3A_28 = arith.extui %sign3A_27 : i1 to i32
      %sign3A_29 = arith.constant 0 : i32
      %sign3A_30 = arith.cmpi slt, %jit3A, %sign3A_29 : i32
      %sign3A_31 = arith.extui %sign3A_30 : i1 to i32
      %sign3A_32 = arith.subi %sign3A_28, %sign3A_31 : i32
      %ne3A = arith.cmpi ne, %sign3A_25, %sign3A_32 : i32
      %rem3A = arith.remsi %scan3A_18, %jit3A : i32
      %ne3A_33 = arith.constant 0 : i32
      %ne3A_34 = arith.cmpi ne, %rem3A, %ne3A_33 : i32
      %and3A = arith.andi %ne3A, %ne3A_34 : i1
      %sub3A = arith.constant 1 : i32
      %sub3A_35 = arith.subi %div3A, %sub3A : i32
      %select_n3A = arith.select %and3A, %sub3A_35, %div3A : i32
      %jit3A_36 = arith.constant 2 : i32
      %eq3A = arith.constant 0 : i32
      %eq3A_37 = arith.cmpi eq, %jit3A_36, %eq3A : i32
      %jit3A_38 = arith.constant 1 : i32
      %select_n3A_39 = arith.select %eq3A_37, %jit3A_38, %jit3A_36 : i32
      %rem3A_40 = arith.remsi %scan3A_18, %select_n3A_39 : i32
      %ne3A_41 = arith.constant 0 : i32
      %ne3A_42 = arith.cmpi ne, %rem3A_40, %ne3A_41 : i32
      %lt3A = arith.constant 0 : i32
      %lt3A_43 = arith.cmpi slt, %rem3A_40, %lt3A : i32
      %lt3A_44 = arith.constant 0 : i32
      %lt3A_45 = arith.cmpi slt, %select_n3A_39, %lt3A_44 : i32
      %ne3A_46 = arith.xori %lt3A_43, %lt3A_45 : i1
      %and3A_47 = arith.andi %ne3A_46, %ne3A_42 : i1
      %add3A_48 = arith.addi %rem3A_40, %select_n3A_39 : i32
      %select_n3A_49 = arith.select %and3A_47, %add3A_48, %rem3A_40 : i32
      %scan3A_50 = arith.constant 0 : i32
      %scan3A_51 = arith.constant 0 : i32
      %scan3A_52 = arith.constant 36 : i32
      %scan3A_53 = arith.addi %scan3A_51, %scan3A_52 : i32
      %scan3A_54 = arith.constant 1 : i32
      %scan3A_55 = scf.for %scan3A_63 = %scan3A_51 to %scan3A_53 step %scan3A_54 iter_args(%scan3A_64 = %scan3A_50) -> (i32)  : i32 {
        %jit3A_65 = arith.constant 9 : i32
        %div3A_66 = arith.divsi %scan3A_63, %jit3A_65 : i32
        %sign3A_67 = arith.constant 0 : i32
        %sign3A_68 = arith.cmpi sgt, %scan3A_63, %sign3A_67 : i32
        %sign3A_69 = arith.extui %sign3A_68 : i1 to i32
        %sign3A_70 = arith.constant 0 : i32
        %sign3A_71 = arith.cmpi slt, %scan3A_63, %sign3A_70 : i32
        %sign3A_72 = arith.extui %sign3A_71 : i1 to i32
        %sign3A_73 = arith.subi %sign3A_69, %sign3A_72 : i32
        %sign3A_74 = arith.constant 0 : i32
        %sign3A_75 = arith.cmpi sgt, %jit3A_65, %sign3A_74 : i32
        %sign3A_76 = arith.extui %sign3A_75 : i1 to i32
        %sign3A_77 = arith.constant 0 : i32
        %sign3A_78 = arith.cmpi slt, %jit3A_65, %sign3A_77 : i32
        %sign3A_79 = arith.extui %sign3A_78 : i1 to i32
        %sign3A_80 = arith.subi %sign3A_76, %sign3A_79 : i32
        %ne3A_81 = arith.cmpi ne, %sign3A_73, %sign3A_80 : i32
        %rem3A_82 = arith.remsi %scan3A_63, %jit3A_65 : i32
        %ne3A_83 = arith.constant 0 : i32
        %ne3A_84 = arith.cmpi ne, %rem3A_82, %ne3A_83 : i32
        %and3A_85 = arith.andi %ne3A_81, %ne3A_84 : i1
        %sub3A_86 = arith.constant 1 : i32
        %sub3A_87 = arith.subi %div3A_66, %sub3A_86 : i32
        %select_n3A_88 = arith.select %and3A_85, %sub3A_87, %div3A_66 : i32
        %jit3A_89 = arith.constant 9 : i32
        %eq3A_90 = arith.constant 0 : i32
        %eq3A_91 = arith.cmpi eq, %jit3A_89, %eq3A_90 : i32
        %jit3A_92 = arith.constant 1 : i32
        %select_n3A_93 = arith.select %eq3A_91, %jit3A_92, %jit3A_89 : i32
        %rem3A_94 = arith.remsi %scan3A_63, %select_n3A_93 : i32
        %ne3A_95 = arith.constant 0 : i32
        %ne3A_96 = arith.cmpi ne, %rem3A_94, %ne3A_95 : i32
        %lt3A_97 = arith.constant 0 : i32
        %lt3A_98 = arith.cmpi slt, %rem3A_94, %lt3A_97 : i32
        %lt3A_99 = arith.constant 0 : i32
        %lt3A_100 = arith.cmpi slt, %select_n3A_93, %lt3A_99 : i32
        %ne3A_101 = arith.xori %lt3A_98, %lt3A_100 : i1
        %and3A_102 = arith.andi %ne3A_101, %ne3A_96 : i1
        %add3A_103 = arith.addi %rem3A_94, %select_n3A_93 : i32
        %select_n3A_104 = arith.select %and3A_102, %add3A_103, %rem3A_94 : i32
        %jit3A_105 = arith.constant 3 : i32
        %div3A_106 = arith.divsi %select_n3A_104, %jit3A_105 : i32
        %sign3A_107 = arith.constant 0 : i32
        %sign3A_108 = arith.cmpi sgt, %select_n3A_104, %sign3A_107 : i32
        %sign3A_109 = arith.extui %sign3A_108 : i1 to i32
        %sign3A_110 = arith.constant 0 : i32
        %sign3A_111 = arith.cmpi slt, %select_n3A_104, %sign3A_110 : i32
        %sign3A_112 = arith.extui %sign3A_111 : i1 to i32
        %sign3A_113 = arith.subi %sign3A_109, %sign3A_112 : i32
        %sign3A_114 = arith.constant 0 : i32
        %sign3A_115 = arith.cmpi sgt, %jit3A_105, %sign3A_114 : i32
        %sign3A_116 = arith.extui %sign3A_115 : i1 to i32
        %sign3A_117 = arith.constant 0 : i32
        %sign3A_118 = arith.cmpi slt, %jit3A_105, %sign3A_117 : i32
        %sign3A_119 = arith.extui %sign3A_118 : i1 to i32
        %sign3A_120 = arith.subi %sign3A_116, %sign3A_119 : i32
        %ne3A_121 = arith.cmpi ne, %sign3A_113, %sign3A_120 : i32
        %rem3A_122 = arith.remsi %select_n3A_104, %jit3A_105 : i32
        %ne3A_123 = arith.constant 0 : i32
        %ne3A_124 = arith.cmpi ne, %rem3A_122, %ne3A_123 : i32
        %and3A_125 = arith.andi %ne3A_121, %ne3A_124 : i1
        %sub3A_126 = arith.constant 1 : i32
        %sub3A_127 = arith.subi %div3A_106, %sub3A_126 : i32
        %select_n3A_128 = arith.select %and3A_125, %sub3A_127, %div3A_106 : i32
        %jit3A_129 = arith.constant 3 : i32
        %eq3A_130 = arith.constant 0 : i32
        %eq3A_131 = arith.cmpi eq, %jit3A_129, %eq3A_130 : i32
        %jit3A_132 = arith.constant 1 : i32
        %select_n3A_133 = arith.select %eq3A_131, %jit3A_132, %jit3A_129 : i32
        %rem3A_134 = arith.remsi %scan3A_63, %select_n3A_133 : i32
        %ne3A_135 = arith.constant 0 : i32
        %ne3A_136 = arith.cmpi ne, %rem3A_134, %ne3A_135 : i32
        %lt3A_137 = arith.constant 0 : i32
        %lt3A_138 = arith.cmpi slt, %rem3A_134, %lt3A_137 : i32
        %lt3A_139 = arith.constant 0 : i32
        %lt3A_140 = arith.cmpi slt, %select_n3A_133, %lt3A_139 : i32
        %ne3A_141 = arith.xori %lt3A_138, %lt3A_140 : i1
        %and3A_142 = arith.andi %ne3A_141, %ne3A_136 : i1
        %add3A_143 = arith.addi %rem3A_134, %select_n3A_133 : i32
        %select_n3A_144 = arith.select %and3A_142, %add3A_143, %rem3A_134 : i32
        %mul3A_145 = arith.constant 4 : i32
        %mul3A_146 = arith.muli %mul3A_145, %select_n3A_88 : i32
        %mul3A_147 = arith.constant 2 : i32
        %mul3A_148 = arith.muli %mul3A_147, %select_n3A : i32
        %add3A_149 = arith.addi %mul3A_146, %mul3A_148 : i32
        %add3A_150 = arith.addi %add3A_149, %select_n3A_128 : i32
        %add3A_151 = arith.constant 0 : i32
        %add3A_152 = vector.broadcast %add3A_151 : i32 to vector<16xi32>
        %add3A_153 = arith.addi %add3A_152, %iota3A : vector<16xi32>
        %mul3A_154 = arith.constant 4 : i32
        %mul3A_155 = vector.broadcast %mul3A_154 : i32 to vector<16xi32>
        %mul3A_156 = arith.muli %mul3A_155, %add3A_153 : vector<16xi32>
        %mul3A_157 = arith.constant 2 : i32
        %mul3A_158 = arith.muli %mul3A_157, %select_n3A_49 : i32
        %add3A_159 = vector.broadcast %mul3A_158 : i32 to vector<16xi32>
        %add3A_160 = arith.addi %mul3A_156, %add3A_159 : vector<16xi32>
        %add3A_161 = vector.broadcast %select_n3A_144 : i32 to vector<16xi32>
        %add3A_162 = arith.addi %add3A_160, %add3A_161 : vector<16xi32>
        %ge3A = arith.constant 512 : i32
        %ge3A_163 = vector.broadcast %ge3A : i32 to vector<16xi32>
        %ge3A_164 = arith.cmpi sge, %add3A_162, %ge3A_163 : vector<16xi32>
        %add3A_165 = arith.constant 27648 : i32
        %add3A_166 = vector.broadcast %add3A_165 : i32 to vector<16xi32>
        %add3A_167 = arith.addi %add3A_166, %iota3A : vector<16xi32>
        %mul3A_168 = arith.constant 1536 : i32
        %mul3A_169 = arith.muli %add3A_150, %mul3A_168 : i32
        %mul3A_170 = arith.constant 3 : i32
        %mul3A_171 = vector.broadcast %mul3A_170 : i32 to vector<16xi32>
        %mul3A_172 = arith.muli %add3A_162, %mul3A_171 : vector<16xi32>
        %add3A_173 = vector.broadcast %mul3A_169 : i32 to vector<16xi32>
        %add3A_174 = arith.addi %add3A_173, %mul3A_172 : vector<16xi32>
        %add3A_175 = arith.constant 0 : i32
        %add3A_176 = vector.broadcast %add3A_175 : i32 to vector<16xi32>
        %add3A_177 = arith.addi %add3A_174, %add3A_176 : vector<16xi32>
        %select_n3A_178 = arith.select %ge3A_164, %add3A_167, %add3A_177 : vector<16xi1>, vector<16xi32>
        %gather3A = tpu.vector_load_idx %arg4[%select_n3A_178] : memref<27664xf32, #tpu.memory_space<vmem>>[vector<16xi32>], vector<16xf32>,
        %mul3A_179 = arith.constant 128 : i32
        %mul3A_180 = arith.muli %select_n3A_88, %mul3A_179 : i32
        %add3A_181 = vector.broadcast %mul3A_180 : i32 to vector<16xi32>
        %add3A_182 = arith.addi %add3A_181, %add3A_153 : vector<16xi32>
        %mul3A_183 = arith.constant 128 : i32
        %mul3A_184 = vector.broadcast %mul3A_183 : i32 to vector<16xi32>
        %mul3A_185 = arith.muli %add3A_182, %mul3A_184 : vector<16xi32>
        %mul3A_186 = arith.constant 9 : i32
        %mul3A_187 = arith.muli %select_n3A_128, %mul3A_186 : i32
        %mul3A_188 = arith.constant 3 : i32
        %mul3A_189 = arith.muli %select_n3A_144, %mul3A_188 : i32
        %add3A_190 = arith.addi %mul3A_187, %mul3A_189 : i32
        %add3A_191 = arith.constant 0 : i32
        %add3A_192 = arith.addi %add3A_190, %add3A_191 : i32
        %add3A_193 = vector.broadcast %add3A_192 : i32 to vector<16xi32>
        %add3A_194 = arith.addi %mul3A_185, %add3A_193 : vector<16xi32>
        tpu.vector_store_idx %arg5[%add3A_194], %gather3A : memref<65536xf32, #tpu.memory_space<vmem>>[vector<16xi32>], vector<16xf32>,
        %add3A_195 = arith.constant 16 : i32
        %add3A_196 = vector.broadcast %add3A_195 : i32 to vector<16xi32>
        %add3A_197 = arith.addi %add3A_196, %iota3A : vector<16xi32>
        %mul3A_198 = arith.constant 4 : i32
        %mul3A_199 = vector.broadcast %mul3A_198 : i32 to vector<16xi32>
        %mul3A_200 = arith.muli %mul3A_199, %add3A_197 : vector<16xi32>
        %mul3A_201 = arith.constant 2 : i32
        %mul3A_202 = arith.muli %mul3A_201, %select_n3A_49 : i32
        %add3A_203 = vector.broadcast %mul3A_202 : i32 to vector<16xi32>
        %add3A_204 = arith.addi %mul3A_200, %add3A_203 : vector<16xi32>
        %add3A_205 = vector.broadcast %select_n3A_144 : i32 to vector<16xi32>
        %add3A_206 = arith.addi %add3A_204, %add3A_205 : vector<16xi32>
        %ge3A_207 = arith.constant 512 : i32
        %ge3A_208 = vector.broadcast %ge3A_207 : i32 to vector<16xi32>
        %ge3A_209 = arith.cmpi sge, %add3A_206, %ge3A_208 : vector<16xi32>
        %add3A_210 = arith.constant 27648 : i32
        %add3A_211 = vector.broadcast %add3A_210 : i32 to vector<16xi32>
        %add3A_212 = arith.addi %add3A_211, %iota3A : vector<16xi32>
        %mul3A_213 = arith.constant 1536 : i32
        %mul3A_214 = arith.muli %add3A_150, %mul3A_213 : i32
        %mul3A_215 = arith.constant 3 : i32
        %mul3A_216 = vector.broadcast %mul3A_215 : i32 to vector<16xi32>
        %mul3A_217 = arith.muli %add3A_206, %mul3A_216 : vector<16xi32>
        %add3A_218 = vector.broadcast %mul3A_214 : i32 to vector<16xi32>
        %add3A_219 = arith.addi %add3A_218, %mul3A_217 : vector<16xi32>
        %add3A_220 = arith.constant 0 : i32
        %add3A_221 = vector.broadcast %add3A_220 : i32 to vector<16xi32>
        %add3A_222 = arith.addi %add3A_219, %add3A_221 : vector<16xi32>
        %select_n3A_223 = arith.select %ge3A_209, %add3A_212, %add3A_222 : vector<16xi1>, vector<16xi32>
        %gather3A_224 = tpu.vector_load_idx %arg4[%select_n3A_223] : memref<27664xf32, #tpu.memory_space<vmem>>[vector<16xi32>], vector<16xf32>,
        %mul3A_225 = arith.constant 128 : i32
        %mul3A_226 = arith.muli %select_n3A_88, %mul3A_225 : i32
        %add3A_227 = vector.broadcast %mul3A_226 : i32 to vector<16xi32>
        %add3A_228 = arith.addi %add3A_227, %add3A_197 : vector<16xi32>
        %mul3A_229 = arith.constant 128 : i32
        %mul3A_230 = vector.broadcast %mul3A_229 : i32 to vector<16xi32>
        %mul3A_231 = arith.muli %add3A_228, %mul3A_230 : vector<16xi32>
        %mul3A_232 = arith.constant 9 : i32
        %mul3A_233 = arith.muli %select_n3A_128, %mul3A_232 : i32
        %mul3A_234 = arith.constant 3 : i32
        %mul3A_235 = arith.muli %select_n3A_144, %mul3A_234 : i32
        %add3A_236 = arith.addi %mul3A_233, %mul3A_235 : i32
        %add3A_237 = arith.constant 0 : i32
        %add3A_238 = arith.addi %add3A_236, %add3A_237 : i32
        %add3A_239 = vector.broadcast %add3A_238 : i32 to vector<16xi32>
        %add3A_240 = arith.addi %mul3A_231, %add3A_239 : vector<16xi32>
        tpu.vector_store_idx %arg5[%add3A_240], %gather3A_224 : memref<65536xf32, #tpu.memory_space<vmem>>[vector<16xi32>], vector<16xf32>,
        %add3A_241 = arith.constant 32 : i32
        %add3A_242 = vector.broadcast %add3A_241 : i32 to vector<16xi32>
        %add3A_243 = arith.addi %add3A_242, %iota3A : vector<16xi32>
        %mul3A_244 = arith.constant 4 : i32
        %mul3A_245 = vector.broadcast %mul3A_244 : i32 to vector<16xi32>
        %mul3A_246 = arith.muli %mul3A_245, %add3A_243 : vector<16xi32>
        %mul3A_247 = arith.constant 2 : i32
        %mul3A_248 = arith.muli %mul3A_247, %select_n3A_49 : i32
        %add3A_249 = vector.broadcast %mul3A_248 : i32 to vector<16xi32>
        %add3A_250 = arith.addi %mul3A_246, %add3A_249 : vector<16xi32>
        %add3A_251 = vector.broadcast %select_n3A_144 : i32 to vector<16xi32>
        %add3A_252 = arith.addi %add3A_250, %add3A_251 : vector<16xi32>
        %ge3A_253 = arith.constant 512 : i32
        %ge3A_254 = vector.broadcast %ge3A_253 : i32 to vector<16xi32>
        %ge3A_255 = arith.cmpi sge, %add3A_252, %ge3A_254 : vector<16xi32>
        %add3A_256 = arith.constant 27648 : i32
        %add3A_257 = vector.broadcast %add3A_256 : i32 to vector<16xi32>
        %add3A_258 = arith.addi %add3A_257, %iota3A : vector<16xi32>
        %mul3A_259 = arith.constant 1536 : i32
        %mul3A_260 = arith.muli %add3A_150, %mul3A_259 : i32
        %mul3A_261 = arith.constant 3 : i32
        %mul3A_262 = vector.broadcast %mul3A_261 : i32 to vector<16xi32>
        %mul3A_263 = arith.muli %add3A_252, %mul3A_262 : vector<16xi32>
        %add3A_264 = vector.broadcast %mul3A_260 : i32 to vector<16xi32>
        %add3A_265 = arith.addi %add3A_264, %mul3A_263 : vector<16xi32>
        %add3A_266 = arith.constant 0 : i32
        %add3A_267 = vector.broadcast %add3A_266 : i32 to vector<16xi32>
        %add3A_268 = arith.addi %add3A_265, %add3A_267 : vector<16xi32>
        %select_n3A_269 = arith.select %ge3A_255, %add3A_258, %add3A_268 : vector<16xi1>, vector<16xi32>
        %gather3A_270 = tpu.vector_load_idx %arg4[%select_n3A_269] : memref<27664xf32, #tpu.memory_space<vmem>>[vector<16xi32>], vector<16xf32>,
        %mul3A_271 = arith.constant 128 : i32
        %mul3A_272 = arith.muli %select_n3A_88, %mul3A_271 : i32
        %add3A_273 = vector.broadcast %mul3A_272 : i32 to vector<16xi32>
        %add3A_274 = arith.addi %add3A_273, %add3A_243 : vector<16xi32>
        %mul3A_275 = arith.constant 128 : i32
        %mul3A_276 = vector.broadcast %mul3A_275 : i32 to vector<16xi32>
        %mul3A_277 = arith.muli %add3A_274, %mul3A_276 : vector<16xi32>
        %mul3A_278 = arith.constant 9 : i32
        %mul3A_279 = arith.muli %select_n3A_128, %mul3A_278 : i32
        %mul3A_280 = arith.constant 3 : i32
        %mul3A_281 = arith.muli %select_n3A_144, %mul3A_280 : i32
        %add3A_282 = arith.addi %mul3A_279, %mul3A_281 : i32
        %add3A_283 = arith.constant 0 : i32
        %add3A_284 = arith.addi %add3A_282, %add3A_283 : i32
        %add3A_285 = vector.broadcast %add3A_284 : i32 to vector<16xi32>
        %add3A_286 = arith.addi %mul3A_277, %add3A_285 : vector<16xi32>
        tpu.vector_store_idx %arg5[%add3A_286], %gather3A_270 : memref<65536xf32, #tpu.memory_space<vmem>>[vector<16xi32>], vector<16xf32>,
        %add3A_287 = arith.constant 48 : i32
        %add3A_288 = vector.broadcast %add3A_287 : i32 to vector<16xi32>
        %add3A_289 = arith.addi %add3A_288, %iota3A : vector<16xi32>
        %mul3A_290 = arith.constant 4 : i32
        %mul3A_291 = vector.broadcast %mul3A_290 : i32 to vector<16xi32>
        %mul3A_292 = arith.muli %mul3A_291, %add3A_289 : vector<16xi32>
        %mul3A_293 = arith.constant 2 : i32
        %mul3A_294 = arith.muli %mul3A_293, %select_n3A_49 : i32
        %add3A_295 = vector.broadcast %mul3A_294 : i32 to vector<16xi32>
        %add3A_296 = arith.addi %mul3A_292, %add3A_295 : vector<16xi32>
        %add3A_297 = vector.broadcast %select_n3A_144 : i32 to vector<16xi32>
        %add3A_298 = arith.addi %add3A_296, %add3A_297 : vector<16xi32>
        %ge3A_299 = arith.constant 512 : i32
        %ge3A_300 = vector.broadcast %ge3A_299 : i32 to vector<16xi32>
        %ge3A_301 = arith.cmpi sge, %add3A_298, %ge3A_300 : vector<16xi32>
        %add3A_302 = arith.constant 27648 : i32
        %add3A_303 = vector.broadcast %add3A_302 : i32 to vector<16xi32>
        %add3A_304 = arith.addi %add3A_303, %iota3A : vector<16xi32>
        %mul3A_305 = arith.constant 1536 : i32
        %mul3A_306 = arith.muli %add3A_150, %mul3A_305 : i32
        %mul3A_307 = arith.constant 3 : i32
        %mul3A_308 = vector.broadcast %mul3A_307 : i32 to vector<16xi32>
        %mul3A_309 = arith.muli %add3A_298, %mul3A_308 : vector<16xi32>
        %add3A_310 = vector.broadcast %mul3A_306 : i32 to vector<16xi32>
        %add3A_311 = arith.addi %add3A_310, %mul3A_309 : vector<16xi32>
        %add3A_312 = arith.constant 0 : i32
        %add3A_313 = vector.broadcast %add3A_312 : i32 to vector<16xi32>
        %add3A_314 = arith.addi %add3A_311, %add3A_313 : vector<16xi32>
        %select_n3A_315 = arith.select %ge3A_301, %add3A_304, %add3A_314 : vector<16xi1>, vector<16xi32>
        %gather3A_316 = tpu.vector_load_idx %arg4[%select_n3A_315] : memref<27664xf32, #tpu.memory_space<vmem>>[vector<16xi32>], vector<16xf32>,
        %mul3A_317 = arith.constant 128 : i32
        %mul3A_318 = arith.muli %select_n3A_88, %mul3A_317 : i32
        %add3A_319 = vector.broadcast %mul3A_318 : i32 to vector<16xi32>
        %add3A_320 = arith.addi %add3A_319, %add3A_289 : vector<16xi32>
        %mul3A_321 = arith.constant 128 : i32
        %mul3A_322 = vector.broadcast %mul3A_321 : i32 to vector<16xi32>
        %mul3A_323 = arith.muli %add3A_320, %mul3A_322 : vector<16xi32>
        %mul3A_324 = arith.constant 9 : i32
        %mul3A_325 = arith.muli %select_n3A_128, %mul3A_324 : i32
        %mul3A_326 = arith.constant 3 : i32
        %mul3A_327 = arith.muli %select_n3A_144, %mul3A_326 : i32
        %add3A_328 = arith.addi %mul3A_325, %mul3A_327 : i32
        %add3A_329 = arith.constant 0 : i32
        %add3A_330 = arith.addi %add3A_328, %add3A_329 : i32
        %add3A_331 = vector.broadcast %add3A_330 : i32 to vector<16xi32>
        %add3A_332 = arith.addi %mul3A_323, %add3A_331 : vector<16xi32>
        tpu.vector_store_idx %arg5[%add3A_332], %gather3A_316 : memref<65536xf32, #tpu.memory_space<vmem>>[vector<16xi32>], vector<16xf32>,
        %add3A_333 = arith.constant 64 : i32
        %add3A_334 = vector.broadcast %add3A_333 : i32 to vector<16xi32>
        %add3A_335 = arith.addi %add3A_334, %iota3A : vector<16xi32>
        %mul3A_336 = arith.constant 4 : i32
        %mul3A_337 = vector.broadcast %mul3A_336 : i32 to vector<16xi32>
        %mul3A_338 = arith.muli %mul3A_337, %add3A_335 : vector<16xi32>
        %mul3A_339 = arith.constant 2 : i32
        %mul3A_340 = arith.muli %mul3A_339, %select_n3A_49 : i32
        %add3A_341 = vector.broadcast %mul3A_340 : i32 to vector<16xi32>
        %add3A_342 = arith.addi %mul3A_338, %add3A_341 : vector<16xi32>
        %add3A_343 = vector.broadcast %select_n3A_144 : i32 to vector<16xi32>
        %add3A_344 = arith.addi %add3A_342, %add3A_343 : vector<16xi32>
        %ge3A_345 = arith.constant 512 : i32
        %ge3A_346 = vector.broadcast %ge3A_345 : i32 to vector<16xi32>
        %ge3A_347 = arith.cmpi sge, %add3A_344, %ge3A_346 : vector<16xi32>
        %add3A_348 = arith.constant 27648 : i32
        %add3A_349 = vector.broadcast %add3A_348 : i32 to vector<16xi32>
        %add3A_350 = arith.addi %add3A_349, %iota3A : vector<16xi32>
        %mul3A_351 = arith.constant 1536 : i32
        %mul3A_352 = arith.muli %add3A_150, %mul3A_351 : i32
        %mul3A_353 = arith.constant 3 : i32
        %mul3A_354 = vector.broadcast %mul3A_353 : i32 to vector<16xi32>
        %mul3A_355 = arith.muli %add3A_344, %mul3A_354 : vector<16xi32>
        %add3A_356 = vector.broadcast %mul3A_352 : i32 to vector<16xi32>
        %add3A_357 = arith.addi %add3A_356, %mul3A_355 : vector<16xi32>
        %add3A_358 = arith.constant 0 : i32
        %add3A_359 = vector.broadcast %add3A_358 : i32 to vector<16xi32>
        %add3A_360 = arith.addi %add3A_357, %add3A_359 : vector<16xi32>
        %select_n3A_361 = arith.select %ge3A_347, %add3A_350, %add3A_360 : vector<16xi1>, vector<16xi32>
        %gather3A_362 = tpu.vector_load_idx %arg4[%select_n3A_361] : memref<27664xf32, #tpu.memory_space<vmem>>[vector<16xi32>], vector<16xf32>,
        %mul3A_363 = arith.constant 128 : i32
        %mul3A_364 = arith.muli %select_n3A_88, %mul3A_363 : i32
        %add3A_365 = vector.broadcast %mul3A_364 : i32 to vector<16xi32>
        %add3A_366 = arith.addi %add3A_365, %add3A_335 : vector<16xi32>
        %mul3A_367 = arith.constant 128 : i32
        %mul3A_368 = vector.broadcast %mul3A_367 : i32 to vector<16xi32>
        %mul3A_369 = arith.muli %add3A_366, %mul3A_368 : vector<16xi32>
        %mul3A_370 = arith.constant 9 : i32
        %mul3A_371 = arith.muli %select_n3A_128, %mul3A_370 : i32
        %mul3A_372 = arith.constant 3 : i32
        %mul3A_373 = arith.muli %select_n3A_144, %mul3A_372 : i32
        %add3A_374 = arith.addi %mul3A_371, %mul3A_373 : i32
        %add3A_375 = arith.constant 0 : i32
        %add3A_376 = arith.addi %add3A_374, %add3A_375 : i32
        %add3A_377 = vector.broadcast %add3A_376 : i32 to vector<16xi32>
        %add3A_378 = arith.addi %mul3A_369, %add3A_377 : vector<16xi32>
        tpu.vector_store_idx %arg5[%add3A_378], %gather3A_362 : memref<65536xf32, #tpu.memory_space<vmem>>[vector<16xi32>], vector<16xf32>,
        %add3A_379 = arith.constant 80 : i32
        %add3A_380 = vector.broadcast %add3A_379 : i32 to vector<16xi32>
        %add3A_381 = arith.addi %add3A_380, %iota3A : vector<16xi32>
        %mul3A_382 = arith.constant 4 : i32
        %mul3A_383 = vector.broadcast %mul3A_382 : i32 to vector<16xi32>
        %mul3A_384 = arith.muli %mul3A_383, %add3A_381 : vector<16xi32>
        %mul3A_385 = arith.constant 2 : i32
        %mul3A_386 = arith.muli %mul3A_385, %select_n3A_49 : i32
        %add3A_387 = vector.broadcast %mul3A_386 : i32 to vector<16xi32>
        %add3A_388 = arith.addi %mul3A_384, %add3A_387 : vector<16xi32>
        %add3A_389 = vector.broadcast %select_n3A_144 : i32 to vector<16xi32>
        %add3A_390 = arith.addi %add3A_388, %add3A_389 : vector<16xi32>
        %ge3A_391 = arith.constant 512 : i32
        %ge3A_392 = vector.broadcast %ge3A_391 : i32 to vector<16xi32>
        %ge3A_393 = arith.cmpi sge, %add3A_390, %ge3A_392 : vector<16xi32>
        %add3A_394 = arith.constant 27648 : i32
        %add3A_395 = vector.broadcast %add3A_394 : i32 to vector<16xi32>
        %add3A_396 = arith.addi %add3A_395, %iota3A : vector<16xi32>
        %mul3A_397 = arith.constant 1536 : i32
        %mul3A_398 = arith.muli %add3A_150, %mul3A_397 : i32
        %mul3A_399 = arith.constant 3 : i32
        %mul3A_400 = vector.broadcast %mul3A_399 : i32 to vector<16xi32>
        %mul3A_401 = arith.muli %add3A_390, %mul3A_400 : vector<16xi32>
        %add3A_402 = vector.broadcast %mul3A_398 : i32 to vector<16xi32>
        %add3A_403 = arith.addi %add3A_402, %mul3A_401 : vector<16xi32>
        %add3A_404 = arith.constant 0 : i32
        %add3A_405 = vector.broadcast %add3A_404 : i32 to vector<16xi32>
        %add3A_406 = arith.addi %add3A_403, %add3A_405 : vector<16xi32>
        %select_n3A_407 = arith.select %ge3A_393, %add3A_396, %add3A_406 : vector<16xi1>, vector<16xi32>
        %gather3A_408 = tpu.vector_load_idx %arg4[%select_n3A_407] : memref<27664xf32, #tpu.memory_space<vmem>>[vector<16xi32>], vector<16xf32>,
        %mul3A_409 = arith.constant 128 : i32
        %mul3A_410 = arith.muli %select_n3A_88, %mul3A_409 : i32
        %add3A_411 = vector.broadcast %mul3A_410 : i32 to vector<16xi32>
        %add3A_412 = arith.addi %add3A_411, %add3A_381 : vector<16xi32>
        %mul3A_413 = arith.constant 128 : i32
        %mul3A_414 = vector.broadcast %mul3A_413 : i32 to vector<16xi32>
        %mul3A_415 = arith.muli %add3A_412, %mul3A_414 : vector<16xi32>
        %mul3A_416 = arith.constant 9 : i32
        %mul3A_417 = arith.muli %select_n3A_128, %mul3A_416 : i32
        %mul3A_418 = arith.constant 3 : i32
        %mul3A_419 = arith.muli %select_n3A_144, %mul3A_418 : i32
        %add3A_420 = arith.addi %mul3A_417, %mul3A_419 : i32
        %add3A_421 = arith.constant 0 : i32
        %add3A_422 = arith.addi %add3A_420, %add3A_421 : i32
        %add3A_423 = vector.broadcast %add3A_422 : i32 to vector<16xi32>
        %add3A_424 = arith.addi %mul3A_415, %add3A_423 : vector<16xi32>
        tpu.vector_store_idx %arg5[%add3A_424], %gather3A_408 : memref<65536xf32, #tpu.memory_space<vmem>>[vector<16xi32>], vector<16xf32>,
        %add3A_425 = arith.constant 96 : i32
        %add3A_426 = vector.broadcast %add3A_425 : i32 to vector<16xi32>
        %add3A_427 = arith.addi %add3A_426, %iota3A : vector<16xi32>
        %mul3A_428 = arith.constant 4 : i32
        %mul3A_429 = vector.broadcast %mul3A_428 : i32 to vector<16xi32>
        %mul3A_430 = arith.muli %mul3A_429, %add3A_427 : vector<16xi32>
        %mul3A_431 = arith.constant 2 : i32
        %mul3A_432 = arith.muli %mul3A_431, %select_n3A_49 : i32
        %add3A_433 = vector.broadcast %mul3A_432 : i32 to vector<16xi32>
        %add3A_434 = arith.addi %mul3A_430, %add3A_433 : vector<16xi32>
        %add3A_435 = vector.broadcast %select_n3A_144 : i32 to vector<16xi32>
        %add3A_436 = arith.addi %add3A_434, %add3A_435 : vector<16xi32>
        %ge3A_437 = arith.constant 512 : i32
        %ge3A_438 = vector.broadcast %ge3A_437 : i32 to vector<16xi32>
        %ge3A_439 = arith.cmpi sge, %add3A_436, %ge3A_438 : vector<16xi32>
        %add3A_440 = arith.constant 27648 : i32
        %add3A_441 = vector.broadcast %add3A_440 : i32 to vector<16xi32>
        %add3A_442 = arith.addi %add3A_441, %iota3A : vector<16xi32>
        %mul3A_443 = arith.constant 1536 : i32
        %mul3A_444 = arith.muli %add3A_150, %mul3A_443 : i32
        %mul3A_445 = arith.constant 3 : i32
        %mul3A_446 = vector.broadcast %mul3A_445 : i32 to vector<16xi32>
        %mul3A_447 = arith.muli %add3A_436, %mul3A_446 : vector<16xi32>
        %add3A_448 = vector.broadcast %mul3A_444 : i32 to vector<16xi32>
        %add3A_449 = arith.addi %add3A_448, %mul3A_447 : vector<16xi32>
        %add3A_450 = arith.constant 0 : i32
        %add3A_451 = vector.broadcast %add3A_450 : i32 to vector<16xi32>
        %add3A_452 = arith.addi %add3A_449, %add3A_451 : vector<16xi32>
        %select_n3A_453 = arith.select %ge3A_439, %add3A_442, %add3A_452 : vector<16xi1>, vector<16xi32>
        %gather3A_454 = tpu.vector_load_idx %arg4[%select_n3A_453] : memref<27664xf32, #tpu.memory_space<vmem>>[vector<16xi32>], vector<16xf32>,
        %mul3A_455 = arith.constant 128 : i32
        %mul3A_456 = arith.muli %select_n3A_88, %mul3A_455 : i32
        %add3A_457 = vector.broadcast %mul3A_456 : i32 to vector<16xi32>
        %add3A_458 = arith.addi %add3A_457, %add3A_427 : vector<16xi32>
        %mul3A_459 = arith.constant 128 : i32
        %mul3A_460 = vector.broadcast %mul3A_459 : i32 to vector<16xi32>
        %mul3A_461 = arith.muli %add3A_458, %mul3A_460 : vector<16xi32>
        %mul3A_462 = arith.constant 9 : i32
        %mul3A_463 = arith.muli %select_n3A_128, %mul3A_462 : i32
        %mul3A_464 = arith.constant 3 : i32
        %mul3A_465 = arith.muli %select_n3A_144, %mul3A_464 : i32
        %add3A_466 = arith.addi %mul3A_463, %mul3A_465 : i32
        %add3A_467 = arith.constant 0 : i32
        %add3A_468 = arith.addi %add3A_466, %add3A_467 : i32
        %add3A_469 = vector.broadcast %add3A_468 : i32 to vector<16xi32>
        %add3A_470 = arith.addi %mul3A_461, %add3A_469 : vector<16xi32>
        tpu.vector_store_idx %arg5[%add3A_470], %gather3A_454 : memref<65536xf32, #tpu.memory_space<vmem>>[vector<16xi32>], vector<16xf32>,
        %add3A_471 = arith.constant 112 : i32
        %add3A_472 = vector.broadcast %add3A_471 : i32 to vector<16xi32>
        %add3A_473 = arith.addi %add3A_472, %iota3A : vector<16xi32>
        %mul3A_474 = arith.constant 4 : i32
        %mul3A_475 = vector.broadcast %mul3A_474 : i32 to vector<16xi32>
        %mul3A_476 = arith.muli %mul3A_475, %add3A_473 : vector<16xi32>
        %mul3A_477 = arith.constant 2 : i32
        %mul3A_478 = arith.muli %mul3A_477, %select_n3A_49 : i32
        %add3A_479 = vector.broadcast %mul3A_478 : i32 to vector<16xi32>
        %add3A_480 = arith.addi %mul3A_476, %add3A_479 : vector<16xi32>
        %add3A_481 = vector.broadcast %select_n3A_144 : i32 to vector<16xi32>
        %add3A_482 = arith.addi %add3A_480, %add3A_481 : vector<16xi32>
        %ge3A_483 = arith.constant 512 : i32
        %ge3A_484 = vector.broadcast %ge3A_483 : i32 to vector<16xi32>
        %ge3A_485 = arith.cmpi sge, %add3A_482, %ge3A_484 : vector<16xi32>
        %add3A_486 = arith.constant 27648 : i32
        %add3A_487 = vector.broadcast %add3A_486 : i32 to vector<16xi32>
        %add3A_488 = arith.addi %add3A_487, %iota3A : vector<16xi32>
        %mul3A_489 = arith.constant 1536 : i32
        %mul3A_490 = arith.muli %add3A_150, %mul3A_489 : i32
        %mul3A_491 = arith.constant 3 : i32
        %mul3A_492 = vector.broadcast %mul3A_491 : i32 to vector<16xi32>
        %mul3A_493 = arith.muli %add3A_482, %mul3A_492 : vector<16xi32>
        %add3A_494 = vector.broadcast %mul3A_490 : i32 to vector<16xi32>
        %add3A_495 = arith.addi %add3A_494, %mul3A_493 : vector<16xi32>
        %add3A_496 = arith.constant 0 : i32
        %add3A_497 = vector.broadcast %add3A_496 : i32 to vector<16xi32>
        %add3A_498 = arith.addi %add3A_495, %add3A_497 : vector<16xi32>
        %select_n3A_499 = arith.select %ge3A_485, %add3A_488, %add3A_498 : vector<16xi1>, vector<16xi32>
        %gather3A_500 = tpu.vector_load_idx %arg4[%select_n3A_499] : memref<27664xf32, #tpu.memory_space<vmem>>[vector<16xi32>], vector<16xf32>,
        %mul3A_501 = arith.constant 128 : i32
        %mul3A_502 = arith.muli %select_n3A_88, %mul3A_501 : i32
        %add3A_503 = vector.broadcast %mul3A_502 : i32 to vector<16xi32>
        %add3A_504 = arith.addi %add3A_503, %add3A_473 : vector<16xi32>
        %mul3A_505 = arith.constant 128 : i32
        %mul3A_506 = vector.broadcast %mul3A_505 : i32 to vector<16xi32>
        %mul3A_507 = arith.muli %add3A_504, %mul3A_506 : vector<16xi32>
        %mul3A_508 = arith.constant 9 : i32
        %mul3A_509 = arith.muli %select_n3A_128, %mul3A_508 : i32
        %mul3A_510 = arith.constant 3 : i32
        %mul3A_511 = arith.muli %select_n3A_144, %mul3A_510 : i32
        %add3A_512 = arith.addi %mul3A_509, %mul3A_511 : i32
        %add3A_513 = arith.constant 0 : i32
        %add3A_514 = arith.addi %add3A_512, %add3A_513 : i32
        %add3A_515 = vector.broadcast %add3A_514 : i32 to vector<16xi32>
        %add3A_516 = arith.addi %mul3A_507, %add3A_515 : vector<16xi32>
        tpu.vector_store_idx %arg5[%add3A_516], %gather3A_500 : memref<65536xf32, #tpu.memory_space<vmem>>[vector<16xi32>], vector<16xf32>,
        %add3A_517 = arith.constant 0 : i32
        %add3A_518 = vector.broadcast %add3A_517 : i32 to vector<16xi32>
        %add3A_519 = arith.addi %add3A_518, %iota3A : vector<16xi32>
        %mul3A_520 = arith.constant 4 : i32
        %mul3A_521 = vector.broadcast %mul3A_520 : i32 to vector<16xi32>
        %mul3A_522 = arith.muli %mul3A_521, %add3A_519 : vector<16xi32>
        %mul3A_523 = arith.constant 2 : i32
        %mul3A_524 = arith.muli %mul3A_523, %select_n3A_49 : i32
        %add3A_525 = vector.broadcast %mul3A_524 : i32 to vector<16xi32>
        %add3A_526 = arith.addi %mul3A_522, %add3A_525 : vector<16xi32>
        %add3A_527 = vector.broadcast %select_n3A_144 : i32 to vector<16xi32>
        %add3A_528 = arith.addi %add3A_526, %add3A_527 : vector<16xi32>
        %ge3A_529 = arith.constant 512 : i32
        %ge3A_530 = vector.broadcast %ge3A_529 : i32 to vector<16xi32>
        %ge3A_531 = arith.cmpi sge, %add3A_528, %ge3A_530 : vector<16xi32>
        %add3A_532 = arith.constant 27648 : i32
        %add3A_533 = vector.broadcast %add3A_532 : i32 to vector<16xi32>
        %add3A_534 = arith.addi %add3A_533, %iota3A : vector<16xi32>
        %mul3A_535 = arith.constant 1536 : i32
        %mul3A_536 = arith.muli %add3A_150, %mul3A_535 : i32
        %mul3A_537 = arith.constant 3 : i32
        %mul3A_538 = vector.broadcast %mul3A_537 : i32 to vector<16xi32>
        %mul3A_539 = arith.muli %add3A_528, %mul3A_538 : vector<16xi32>
        %add3A_540 = vector.broadcast %mul3A_536 : i32 to vector<16xi32>
        %add3A_541 = arith.addi %add3A_540, %mul3A_539 : vector<16xi32>
        %add3A_542 = arith.constant 1 : i32
        %add3A_543 = vector.broadcast %add3A_542 : i32 to vector<16xi32>
        %add3A_544 = arith.addi %add3A_541, %add3A_543 : vector<16xi32>
        %select_n3A_545 = arith.select %ge3A_531, %add3A_534, %add3A_544 : vector<16xi1>, vector<16xi32>
        %gather3A_546 = tpu.vector_load_idx %arg4[%select_n3A_545] : memref<27664xf32, #tpu.memory_space<vmem>>[vector<16xi32>], vector<16xf32>,
        %mul3A_547 = arith.constant 128 : i32
        %mul3A_548 = arith.muli %select_n3A_88, %mul3A_547 : i32
        %add3A_549 = vector.broadcast %mul3A_548 : i32 to vector<16xi32>
        %add3A_550 = arith.addi %add3A_549, %add3A_519 : vector<16xi32>
        %mul3A_551 = arith.constant 128 : i32
        %mul3A_552 = vector.broadcast %mul3A_551 : i32 to vector<16xi32>
        %mul3A_553 = arith.muli %add3A_550, %mul3A_552 : vector<16xi32>
        %mul3A_554 = arith.constant 9 : i32
        %mul3A_555 = arith.muli %select_n3A_128, %mul3A_554 : i32
        %mul3A_556 = arith.constant 3 : i32
        %mul3A_557 = arith.muli %select_n3A_144, %mul3A_556 : i32
        %add3A_558 = arith.addi %mul3A_555, %mul3A_557 : i32
        %add3A_559 = arith.constant 1 : i32
        %add3A_560 = arith.addi %add3A_558, %add3A_559 : i32
        %add3A_561 = vector.broadcast %add3A_560 : i32 to vector<16xi32>
        %add3A_562 = arith.addi %mul3A_553, %add3A_561 : vector<16xi32>
        tpu.vector_store_idx %arg5[%add3A_562], %gather3A_546 : memref<65536xf32, #tpu.memory_space<vmem>>[vector<16xi32>], vector<16xf32>,
        %add3A_563 = arith.constant 16 : i32
        %add3A_564 = vector.broadcast %add3A_563 : i32 to vector<16xi32>
        %add3A_565 = arith.addi %add3A_564, %iota3A : vector<16xi32>
        %mul3A_566 = arith.constant 4 : i32
        %mul3A_567 = vector.broadcast %mul3A_566 : i32 to vector<16xi32>
        %mul3A_568 = arith.muli %mul3A_567, %add3A_565 : vector<16xi32>
        %mul3A_569 = arith.constant 2 : i32
        %mul3A_570 = arith.muli %mul3A_569, %select_n3A_49 : i32
        %add3A_571 = vector.broadcast %mul3A_570 : i32 to vector<16xi32>
        %add3A_572 = arith.addi %mul3A_568, %add3A_571 : vector<16xi32>
        %add3A_573 = vector.broadcast %select_n3A_144 : i32 to vector<16xi32>
        %add3A_574 = arith.addi %add3A_572, %add3A_573 : vector<16xi32>
        %ge3A_575 = arith.constant 512 : i32
        %ge3A_576 = vector.broadcast %ge3A_575 : i32 to vector<16xi32>
        %ge3A_577 = arith.cmpi sge, %add3A_574, %ge3A_576 : vector<16xi32>
        %add3A_578 = arith.constant 27648 : i32
        %add3A_579 = vector.broadcast %add3A_578 : i32 to vector<16xi32>
        %add3A_580 = arith.addi %add3A_579, %iota3A : vector<16xi32>
        %mul3A_581 = arith.constant 1536 : i32
        %mul3A_582 = arith.muli %add3A_150, %mul3A_581 : i32
        %mul3A_583 = arith.constant 3 : i32
        %mul3A_584 = vector.broadcast %mul3A_583 : i32 to vector<16xi32>
        %mul3A_585 = arith.muli %add3A_574, %mul3A_584 : vector<16xi32>
        %add3A_586 = vector.broadcast %mul3A_582 : i32 to vector<16xi32>
        %add3A_587 = arith.addi %add3A_586, %mul3A_585 : vector<16xi32>
        %add3A_588 = arith.constant 1 : i32
        %add3A_589 = vector.broadcast %add3A_588 : i32 to vector<16xi32>
        %add3A_590 = arith.addi %add3A_587, %add3A_589 : vector<16xi32>
        %select_n3A_591 = arith.select %ge3A_577, %add3A_580, %add3A_590 : vector<16xi1>, vector<16xi32>
        %gather3A_592 = tpu.vector_load_idx %arg4[%select_n3A_591] : memref<27664xf32, #tpu.memory_space<vmem>>[vector<16xi32>], vector<16xf32>,
        %mul3A_593 = arith.constant 128 : i32
        %mul3A_594 = arith.muli %select_n3A_88, %mul3A_593 : i32
        %add3A_595 = vector.broadcast %mul3A_594 : i32 to vector<16xi32>
        %add3A_596 = arith.addi %add3A_595, %add3A_565 : vector<16xi32>
        %mul3A_597 = arith.constant 128 : i32
        %mul3A_598 = vector.broadcast %mul3A_597 : i32 to vector<16xi32>
        %mul3A_599 = arith.muli %add3A_596, %mul3A_598 : vector<16xi32>
        %mul3A_600 = arith.constant 9 : i32
        %mul3A_601 = arith.muli %select_n3A_128, %mul3A_600 : i32
        %mul3A_602 = arith.constant 3 : i32
        %mul3A_603 = arith.muli %select_n3A_144, %mul3A_602 : i32
        %add3A_604 = arith.addi %mul3A_601, %mul3A_603 : i32
        %add3A_605 = arith.constant 1 : i32
        %add3A_606 = arith.addi %add3A_604, %add3A_605 : i32
        %add3A_607 = vector.broadcast %add3A_606 : i32 to vector<16xi32>
        %add3A_608 = arith.addi %mul3A_599, %add3A_607 : vector<16xi32>
        tpu.vector_store_idx %arg5[%add3A_608], %gather3A_592 : memref<65536xf32, #tpu.memory_space<vmem>>[vector<16xi32>], vector<16xf32>,
        %add3A_609 = arith.constant 32 : i32
        %add3A_610 = vector.broadcast %add3A_609 : i32 to vector<16xi32>
        %add3A_611 = arith.addi %add3A_610, %iota3A : vector<16xi32>
        %mul3A_612 = arith.constant 4 : i32
        %mul3A_613 = vector.broadcast %mul3A_612 : i32 to vector<16xi32>
        %mul3A_614 = arith.muli %mul3A_613, %add3A_611 : vector<16xi32>
        %mul3A_615 = arith.constant 2 : i32
        %mul3A_616 = arith.muli %mul3A_615, %select_n3A_49 : i32
        %add3A_617 = vector.broadcast %mul3A_616 : i32 to vector<16xi32>
        %add3A_618 = arith.addi %mul3A_614, %add3A_617 : vector<16xi32>
        %add3A_619 = vector.broadcast %select_n3A_144 : i32 to vector<16xi32>
        %add3A_620 = arith.addi %add3A_618, %add3A_619 : vector<16xi32>
        %ge3A_621 = arith.constant 512 : i32
        %ge3A_622 = vector.broadcast %ge3A_621 : i32 to vector<16xi32>
        %ge3A_623 = arith.cmpi sge, %add3A_620, %ge3A_622 : vector<16xi32>
        %add3A_624 = arith.constant 27648 : i32
        %add3A_625 = vector.broadcast %add3A_624 : i32 to vector<16xi32>
        %add3A_626 = arith.addi %add3A_625, %iota3A : vector<16xi32>
        %mul3A_627 = arith.constant 1536 : i32
        %mul3A_628 = arith.muli %add3A_150, %mul3A_627 : i32
        %mul3A_629 = arith.constant 3 : i32
        %mul3A_630 = vector.broadcast %mul3A_629 : i32 to vector<16xi32>
        %mul3A_631 = arith.muli %add3A_620, %mul3A_630 : vector<16xi32>
        %add3A_632 = vector.broadcast %mul3A_628 : i32 to vector<16xi32>
        %add3A_633 = arith.addi %add3A_632, %mul3A_631 : vector<16xi32>
        %add3A_634 = arith.constant 1 : i32
        %add3A_635 = vector.broadcast %add3A_634 : i32 to vector<16xi32>
        %add3A_636 = arith.addi %add3A_633, %add3A_635 : vector<16xi32>
        %select_n3A_637 = arith.select %ge3A_623, %add3A_626, %add3A_636 : vector<16xi1>, vector<16xi32>
        %gather3A_638 = tpu.vector_load_idx %arg4[%select_n3A_637] : memref<27664xf32, #tpu.memory_space<vmem>>[vector<16xi32>], vector<16xf32>,
        %mul3A_639 = arith.constant 128 : i32
        %mul3A_640 = arith.muli %select_n3A_88, %mul3A_639 : i32
        %add3A_641 = vector.broadcast %mul3A_640 : i32 to vector<16xi32>
        %add3A_642 = arith.addi %add3A_641, %add3A_611 : vector<16xi32>
        %mul3A_643 = arith.constant 128 : i32
        %mul3A_644 = vector.broadcast %mul3A_643 : i32 to vector<16xi32>
        %mul3A_645 = arith.muli %add3A_642, %mul3A_644 : vector<16xi32>
        %mul3A_646 = arith.constant 9 : i32
        %mul3A_647 = arith.muli %select_n3A_128, %mul3A_646 : i32
        %mul3A_648 = arith.constant 3 : i32
        %mul3A_649 = arith.muli %select_n3A_144, %mul3A_648 : i32
        %add3A_650 = arith.addi %mul3A_647, %mul3A_649 : i32
        %add3A_651 = arith.constant 1 : i32
        %add3A_652 = arith.addi %add3A_650, %add3A_651 : i32
        %add3A_653 = vector.broadcast %add3A_652 : i32 to vector<16xi32>
        %add3A_654 = arith.addi %mul3A_645, %add3A_653 : vector<16xi32>
        tpu.vector_store_idx %arg5[%add3A_654], %gather3A_638 : memref<65536xf32, #tpu.memory_space<vmem>>[vector<16xi32>], vector<16xf32>,
        %add3A_655 = arith.constant 48 : i32
        %add3A_656 = vector.broadcast %add3A_655 : i32 to vector<16xi32>
        %add3A_657 = arith.addi %add3A_656, %iota3A : vector<16xi32>
        %mul3A_658 = arith.constant 4 : i32
        %mul3A_659 = vector.broadcast %mul3A_658 : i32 to vector<16xi32>
        %mul3A_660 = arith.muli %mul3A_659, %add3A_657 : vector<16xi32>
        %mul3A_661 = arith.constant 2 : i32
        %mul3A_662 = arith.muli %mul3A_661, %select_n3A_49 : i32
        %add3A_663 = vector.broadcast %mul3A_662 : i32 to vector<16xi32>
        %add3A_664 = arith.addi %mul3A_660, %add3A_663 : vector<16xi32>
        %add3A_665 = vector.broadcast %select_n3A_144 : i32 to vector<16xi32>
        %add3A_666 = arith.addi %add3A_664, %add3A_665 : vector<16xi32>
        %ge3A_667 = arith.constant 512 : i32
        %ge3A_668 = vector.broadcast %ge3A_667 : i32 to vector<16xi32>
        %ge3A_669 = arith.cmpi sge, %add3A_666, %ge3A_668 : vector<16xi32>
        %add3A_670 = arith.constant 27648 : i32
        %add3A_671 = vector.broadcast %add3A_670 : i32 to vector<16xi32>
        %add3A_672 = arith.addi %add3A_671, %iota3A : vector<16xi32>
        %mul3A_673 = arith.constant 1536 : i32
        %mul3A_674 = arith.muli %add3A_150, %mul3A_673 : i32
        %mul3A_675 = arith.constant 3 : i32
        %mul3A_676 = vector.broadcast %mul3A_675 : i32 to vector<16xi32>
        %mul3A_677 = arith.muli %add3A_666, %mul3A_676 : vector<16xi32>
        %add3A_678 = vector.broadcast %mul3A_674 : i32 to vector<16xi32>
        %add3A_679 = arith.addi %add3A_678, %mul3A_677 : vector<16xi32>
        %add3A_680 = arith.constant 1 : i32
        %add3A_681 = vector.broadcast %add3A_680 : i32 to vector<16xi32>
        %add3A_682 = arith.addi %add3A_679, %add3A_681 : vector<16xi32>
        %select_n3A_683 = arith.select %ge3A_669, %add3A_672, %add3A_682 : vector<16xi1>, vector<16xi32>
        %gather3A_684 = tpu.vector_load_idx %arg4[%select_n3A_683] : memref<27664xf32, #tpu.memory_space<vmem>>[vector<16xi32>], vector<16xf32>,
        %mul3A_685 = arith.constant 128 : i32
        %mul3A_686 = arith.muli %select_n3A_88, %mul3A_685 : i32
        %add3A_687 = vector.broadcast %mul3A_686 : i32 to vector<16xi32>
        %add3A_688 = arith.addi %add3A_687, %add3A_657 : vector<16xi32>
        %mul3A_689 = arith.constant 128 : i32
        %mul3A_690 = vector.broadcast %mul3A_689 : i32 to vector<16xi32>
        %mul3A_691 = arith.muli %add3A_688, %mul3A_690 : vector<16xi32>
        %mul3A_692 = arith.constant 9 : i32
        %mul3A_693 = arith.muli %select_n3A_128, %mul3A_692 : i32
        %mul3A_694 = arith.constant 3 : i32
        %mul3A_695 = arith.muli %select_n3A_144, %mul3A_694 : i32
        %add3A_696 = arith.addi %mul3A_693, %mul3A_695 : i32
        %add3A_697 = arith.constant 1 : i32
        %add3A_698 = arith.addi %add3A_696, %add3A_697 : i32
        %add3A_699 = vector.broadcast %add3A_698 : i32 to vector<16xi32>
        %add3A_700 = arith.addi %mul3A_691, %add3A_699 : vector<16xi32>
        tpu.vector_store_idx %arg5[%add3A_700], %gather3A_684 : memref<65536xf32, #tpu.memory_space<vmem>>[vector<16xi32>], vector<16xf32>,
        %add3A_701 = arith.constant 64 : i32
        %add3A_702 = vector.broadcast %add3A_701 : i32 to vector<16xi32>
        %add3A_703 = arith.addi %add3A_702, %iota3A : vector<16xi32>
        %mul3A_704 = arith.constant 4 : i32
        %mul3A_705 = vector.broadcast %mul3A_704 : i32 to vector<16xi32>
        %mul3A_706 = arith.muli %mul3A_705, %add3A_703 : vector<16xi32>
        %mul3A_707 = arith.constant 2 : i32
        %mul3A_708 = arith.muli %mul3A_707, %select_n3A_49 : i32
        %add3A_709 = vector.broadcast %mul3A_708 : i32 to vector<16xi32>
        %add3A_710 = arith.addi %mul3A_706, %add3A_709 : vector<16xi32>
        %add3A_711 = vector.broadcast %select_n3A_144 : i32 to vector<16xi32>
        %add3A_712 = arith.addi %add3A_710, %add3A_711 : vector<16xi32>
        %ge3A_713 = arith.constant 512 : i32
        %ge3A_714 = vector.broadcast %ge3A_713 : i32 to vector<16xi32>
        %ge3A_715 = arith.cmpi sge, %add3A_712, %ge3A_714 : vector<16xi32>
        %add3A_716 = arith.constant 27648 : i32
        %add3A_717 = vector.broadcast %add3A_716 : i32 to vector<16xi32>
        %add3A_718 = arith.addi %add3A_717, %iota3A : vector<16xi32>
        %mul3A_719 = arith.constant 1536 : i32
        %mul3A_720 = arith.muli %add3A_150, %mul3A_719 : i32
        %mul3A_721 = arith.constant 3 : i32
        %mul3A_722 = vector.broadcast %mul3A_721 : i32 to vector<16xi32>
        %mul3A_723 = arith.muli %add3A_712, %mul3A_722 : vector<16xi32>
        %add3A_724 = vector.broadcast %mul3A_720 : i32 to vector<16xi32>
        %add3A_725 = arith.addi %add3A_724, %mul3A_723 : vector<16xi32>
        %add3A_726 = arith.constant 1 : i32
        %add3A_727 = vector.broadcast %add3A_726 : i32 to vector<16xi32>
        %add3A_728 = arith.addi %add3A_725, %add3A_727 : vector<16xi32>
        %select_n3A_729 = arith.select %ge3A_715, %add3A_718, %add3A_728 : vector<16xi1>, vector<16xi32>
        %gather3A_730 = tpu.vector_load_idx %arg4[%select_n3A_729] : memref<27664xf32, #tpu.memory_space<vmem>>[vector<16xi32>], vector<16xf32>,
        %mul3A_731 = arith.constant 128 : i32
        %mul3A_732 = arith.muli %select_n3A_88, %mul3A_731 : i32
        %add3A_733 = vector.broadcast %mul3A_732 : i32 to vector<16xi32>
        %add3A_734 = arith.addi %add3A_733, %add3A_703 : vector<16xi32>
        %mul3A_735 = arith.constant 128 : i32
        %mul3A_736 = vector.broadcast %mul3A_735 : i32 to vector<16xi32>
        %mul3A_737 = arith.muli %add3A_734, %mul3A_736 : vector<16xi32>
        %mul3A_738 = arith.constant 9 : i32
        %mul3A_739 = arith.muli %select_n3A_128, %mul3A_738 : i32
        %mul3A_740 = arith.constant 3 : i32
        %mul3A_741 = arith.muli %select_n3A_144, %mul3A_740 : i32
        %add3A_742 = arith.addi %mul3A_739, %mul3A_741 : i32
        %add3A_743 = arith.constant 1 : i32
        %add3A_744 = arith.addi %add3A_742, %add3A_743 : i32
        %add3A_745 = vector.broadcast %add3A_744 : i32 to vector<16xi32>
        %add3A_746 = arith.addi %mul3A_737, %add3A_745 : vector<16xi32>
        tpu.vector_store_idx %arg5[%add3A_746], %gather3A_730 : memref<65536xf32, #tpu.memory_space<vmem>>[vector<16xi32>], vector<16xf32>,
        %add3A_747 = arith.constant 80 : i32
        %add3A_748 = vector.broadcast %add3A_747 : i32 to vector<16xi32>
        %add3A_749 = arith.addi %add3A_748, %iota3A : vector<16xi32>
        %mul3A_750 = arith.constant 4 : i32
        %mul3A_751 = vector.broadcast %mul3A_750 : i32 to vector<16xi32>
        %mul3A_752 = arith.muli %mul3A_751, %add3A_749 : vector<16xi32>
        %mul3A_753 = arith.constant 2 : i32
        %mul3A_754 = arith.muli %mul3A_753, %select_n3A_49 : i32
        %add3A_755 = vector.broadcast %mul3A_754 : i32 to vector<16xi32>
        %add3A_756 = arith.addi %mul3A_752, %add3A_755 : vector<16xi32>
        %add3A_757 = vector.broadcast %select_n3A_144 : i32 to vector<16xi32>
        %add3A_758 = arith.addi %add3A_756, %add3A_757 : vector<16xi32>
        %ge3A_759 = arith.constant 512 : i32
        %ge3A_760 = vector.broadcast %ge3A_759 : i32 to vector<16xi32>
        %ge3A_761 = arith.cmpi sge, %add3A_758, %ge3A_760 : vector<16xi32>
        %add3A_762 = arith.constant 27648 : i32
        %add3A_763 = vector.broadcast %add3A_762 : i32 to vector<16xi32>
        %add3A_764 = arith.addi %add3A_763, %iota3A : vector<16xi32>
        %mul3A_765 = arith.constant 1536 : i32
        %mul3A_766 = arith.muli %add3A_150, %mul3A_765 : i32
        %mul3A_767 = arith.constant 3 : i32
        %mul3A_768 = vector.broadcast %mul3A_767 : i32 to vector<16xi32>
        %mul3A_769 = arith.muli %add3A_758, %mul3A_768 : vector<16xi32>
        %add3A_770 = vector.broadcast %mul3A_766 : i32 to vector<16xi32>
        %add3A_771 = arith.addi %add3A_770, %mul3A_769 : vector<16xi32>
        %add3A_772 = arith.constant 1 : i32
        %add3A_773 = vector.broadcast %add3A_772 : i32 to vector<16xi32>
        %add3A_774 = arith.addi %add3A_771, %add3A_773 : vector<16xi32>
        %select_n3A_775 = arith.select %ge3A_761, %add3A_764, %add3A_774 : vector<16xi1>, vector<16xi32>
        %gather3A_776 = tpu.vector_load_idx %arg4[%select_n3A_775] : memref<27664xf32, #tpu.memory_space<vmem>>[vector<16xi32>], vector<16xf32>,
        %mul3A_777 = arith.constant 128 : i32
        %mul3A_778 = arith.muli %select_n3A_88, %mul3A_777 : i32
        %add3A_779 = vector.broadcast %mul3A_778 : i32 to vector<16xi32>
        %add3A_780 = arith.addi %add3A_779, %add3A_749 : vector<16xi32>
        %mul3A_781 = arith.constant 128 : i32
        %mul3A_782 = vector.broadcast %mul3A_781 : i32 to vector<16xi32>
        %mul3A_783 = arith.muli %add3A_780, %mul3A_782 : vector<16xi32>
        %mul3A_784 = arith.constant 9 : i32
        %mul3A_785 = arith.muli %select_n3A_128, %mul3A_784 : i32
        %mul3A_786 = arith.constant 3 : i32
        %mul3A_787 = arith.muli %select_n3A_144, %mul3A_786 : i32
        %add3A_788 = arith.addi %mul3A_785, %mul3A_787 : i32
        %add3A_789 = arith.constant 1 : i32
        %add3A_790 = arith.addi %add3A_788, %add3A_789 : i32
        %add3A_791 = vector.broadcast %add3A_790 : i32 to vector<16xi32>
        %add3A_792 = arith.addi %mul3A_783, %add3A_791 : vector<16xi32>
        tpu.vector_store_idx %arg5[%add3A_792], %gather3A_776 : memref<65536xf32, #tpu.memory_space<vmem>>[vector<16xi32>], vector<16xf32>,
        %add3A_793 = arith.constant 96 : i32
        %add3A_794 = vector.broadcast %add3A_793 : i32 to vector<16xi32>
        %add3A_795 = arith.addi %add3A_794, %iota3A : vector<16xi32>
        %mul3A_796 = arith.constant 4 : i32
        %mul3A_797 = vector.broadcast %mul3A_796 : i32 to vector<16xi32>
        %mul3A_798 = arith.muli %mul3A_797, %add3A_795 : vector<16xi32>
        %mul3A_799 = arith.constant 2 : i32
        %mul3A_800 = arith.muli %mul3A_799, %select_n3A_49 : i32
        %add3A_801 = vector.broadcast %mul3A_800 : i32 to vector<16xi32>
        %add3A_802 = arith.addi %mul3A_798, %add3A_801 : vector<16xi32>
        %add3A_803 = vector.broadcast %select_n3A_144 : i32 to vector<16xi32>
        %add3A_804 = arith.addi %add3A_802, %add3A_803 : vector<16xi32>
        %ge3A_805 = arith.constant 512 : i32
        %ge3A_806 = vector.broadcast %ge3A_805 : i32 to vector<16xi32>
        %ge3A_807 = arith.cmpi sge, %add3A_804, %ge3A_806 : vector<16xi32>
        %add3A_808 = arith.constant 27648 : i32
        %add3A_809 = vector.broadcast %add3A_808 : i32 to vector<16xi32>
        %add3A_810 = arith.addi %add3A_809, %iota3A : vector<16xi32>
        %mul3A_811 = arith.constant 1536 : i32
        %mul3A_812 = arith.muli %add3A_150, %mul3A_811 : i32
        %mul3A_813 = arith.constant 3 : i32
        %mul3A_814 = vector.broadcast %mul3A_813 : i32 to vector<16xi32>
        %mul3A_815 = arith.muli %add3A_804, %mul3A_814 : vector<16xi32>
        %add3A_816 = vector.broadcast %mul3A_812 : i32 to vector<16xi32>
        %add3A_817 = arith.addi %add3A_816, %mul3A_815 : vector<16xi32>
        %add3A_818 = arith.constant 1 : i32
        %add3A_819 = vector.broadcast %add3A_818 : i32 to vector<16xi32>
        %add3A_820 = arith.addi %add3A_817, %add3A_819 : vector<16xi32>
        %select_n3A_821 = arith.select %ge3A_807, %add3A_810, %add3A_820 : vector<16xi1>, vector<16xi32>
        %gather3A_822 = tpu.vector_load_idx %arg4[%select_n3A_821] : memref<27664xf32, #tpu.memory_space<vmem>>[vector<16xi32>], vector<16xf32>,
        %mul3A_823 = arith.constant 128 : i32
        %mul3A_824 = arith.muli %select_n3A_88, %mul3A_823 : i32
        %add3A_825 = vector.broadcast %mul3A_824 : i32 to vector<16xi32>
        %add3A_826 = arith.addi %add3A_825, %add3A_795 : vector<16xi32>
        %mul3A_827 = arith.constant 128 : i32
        %mul3A_828 = vector.broadcast %mul3A_827 : i32 to vector<16xi32>
        %mul3A_829 = arith.muli %add3A_826, %mul3A_828 : vector<16xi32>
        %mul3A_830 = arith.constant 9 : i32
        %mul3A_831 = arith.muli %select_n3A_128, %mul3A_830 : i32
        %mul3A_832 = arith.constant 3 : i32
        %mul3A_833 = arith.muli %select_n3A_144, %mul3A_832 : i32
        %add3A_834 = arith.addi %mul3A_831, %mul3A_833 : i32
        %add3A_835 = arith.constant 1 : i32
        %add3A_836 = arith.addi %add3A_834, %add3A_835 : i32
        %add3A_837 = vector.broadcast %add3A_836 : i32 to vector<16xi32>
        %add3A_838 = arith.addi %mul3A_829, %add3A_837 : vector<16xi32>
        tpu.vector_store_idx %arg5[%add3A_838], %gather3A_822 : memref<65536xf32, #tpu.memory_space<vmem>>[vector<16xi32>], vector<16xf32>,
        %add3A_839 = arith.constant 112 : i32
        %add3A_840 = vector.broadcast %add3A_839 : i32 to vector<16xi32>
        %add3A_841 = arith.addi %add3A_840, %iota3A : vector<16xi32>
        %mul3A_842 = arith.constant 4 : i32
        %mul3A_843 = vector.broadcast %mul3A_842 : i32 to vector<16xi32>
        %mul3A_844 = arith.muli %mul3A_843, %add3A_841 : vector<16xi32>
        %mul3A_845 = arith.constant 2 : i32
        %mul3A_846 = arith.muli %mul3A_845, %select_n3A_49 : i32
        %add3A_847 = vector.broadcast %mul3A_846 : i32 to vector<16xi32>
        %add3A_848 = arith.addi %mul3A_844, %add3A_847 : vector<16xi32>
        %add3A_849 = vector.broadcast %select_n3A_144 : i32 to vector<16xi32>
        %add3A_850 = arith.addi %add3A_848, %add3A_849 : vector<16xi32>
        %ge3A_851 = arith.constant 512 : i32
        %ge3A_852 = vector.broadcast %ge3A_851 : i32 to vector<16xi32>
        %ge3A_853 = arith.cmpi sge, %add3A_850, %ge3A_852 : vector<16xi32>
        %add3A_854 = arith.constant 27648 : i32
        %add3A_855 = vector.broadcast %add3A_854 : i32 to vector<16xi32>
        %add3A_856 = arith.addi %add3A_855, %iota3A : vector<16xi32>
        %mul3A_857 = arith.constant 1536 : i32
        %mul3A_858 = arith.muli %add3A_150, %mul3A_857 : i32
        %mul3A_859 = arith.constant 3 : i32
        %mul3A_860 = vector.broadcast %mul3A_859 : i32 to vector<16xi32>
        %mul3A_861 = arith.muli %add3A_850, %mul3A_860 : vector<16xi32>
        %add3A_862 = vector.broadcast %mul3A_858 : i32 to vector<16xi32>
        %add3A_863 = arith.addi %add3A_862, %mul3A_861 : vector<16xi32>
        %add3A_864 = arith.constant 1 : i32
        %add3A_865 = vector.broadcast %add3A_864 : i32 to vector<16xi32>
        %add3A_866 = arith.addi %add3A_863, %add3A_865 : vector<16xi32>
        %select_n3A_867 = arith.select %ge3A_853, %add3A_856, %add3A_866 : vector<16xi1>, vector<16xi32>
        %gather3A_868 = tpu.vector_load_idx %arg4[%select_n3A_867] : memref<27664xf32, #tpu.memory_space<vmem>>[vector<16xi32>], vector<16xf32>,
        %mul3A_869 = arith.constant 128 : i32
        %mul3A_870 = arith.muli %select_n3A_88, %mul3A_869 : i32
        %add3A_871 = vector.broadcast %mul3A_870 : i32 to vector<16xi32>
        %add3A_872 = arith.addi %add3A_871, %add3A_841 : vector<16xi32>
        %mul3A_873 = arith.constant 128 : i32
        %mul3A_874 = vector.broadcast %mul3A_873 : i32 to vector<16xi32>
        %mul3A_875 = arith.muli %add3A_872, %mul3A_874 : vector<16xi32>
        %mul3A_876 = arith.constant 9 : i32
        %mul3A_877 = arith.muli %select_n3A_128, %mul3A_876 : i32
        %mul3A_878 = arith.constant 3 : i32
        %mul3A_879 = arith.muli %select_n3A_144, %mul3A_878 : i32
        %add3A_880 = arith.addi %mul3A_877, %mul3A_879 : i32
        %add3A_881 = arith.constant 1 : i32
        %add3A_882 = arith.addi %add3A_880, %add3A_881 : i32
        %add3A_883 = vector.broadcast %add3A_882 : i32 to vector<16xi32>
        %add3A_884 = arith.addi %mul3A_875, %add3A_883 : vector<16xi32>
        tpu.vector_store_idx %arg5[%add3A_884], %gather3A_868 : memref<65536xf32, #tpu.memory_space<vmem>>[vector<16xi32>], vector<16xf32>,
        %add3A_885 = arith.constant 0 : i32
        %add3A_886 = vector.broadcast %add3A_885 : i32 to vector<16xi32>
        %add3A_887 = arith.addi %add3A_886, %iota3A : vector<16xi32>
        %mul3A_888 = arith.constant 4 : i32
        %mul3A_889 = vector.broadcast %mul3A_888 : i32 to vector<16xi32>
        %mul3A_890 = arith.muli %mul3A_889, %add3A_887 : vector<16xi32>
        %mul3A_891 = arith.constant 2 : i32
        %mul3A_892 = arith.muli %mul3A_891, %select_n3A_49 : i32
        %add3A_893 = vector.broadcast %mul3A_892 : i32 to vector<16xi32>
        %add3A_894 = arith.addi %mul3A_890, %add3A_893 : vector<16xi32>
        %add3A_895 = vector.broadcast %select_n3A_144 : i32 to vector<16xi32>
        %add3A_896 = arith.addi %add3A_894, %add3A_895 : vector<16xi32>
        %ge3A_897 = arith.constant 512 : i32
        %ge3A_898 = vector.broadcast %ge3A_897 : i32 to vector<16xi32>
        %ge3A_899 = arith.cmpi sge, %add3A_896, %ge3A_898 : vector<16xi32>
        %add3A_900 = arith.constant 27648 : i32
        %add3A_901 = vector.broadcast %add3A_900 : i32 to vector<16xi32>
        %add3A_902 = arith.addi %add3A_901, %iota3A : vector<16xi32>
        %mul3A_903 = arith.constant 1536 : i32
        %mul3A_904 = arith.muli %add3A_150, %mul3A_903 : i32
        %mul3A_905 = arith.constant 3 : i32
        %mul3A_906 = vector.broadcast %mul3A_905 : i32 to vector<16xi32>
        %mul3A_907 = arith.muli %add3A_896, %mul3A_906 : vector<16xi32>
        %add3A_908 = vector.broadcast %mul3A_904 : i32 to vector<16xi32>
        %add3A_909 = arith.addi %add3A_908, %mul3A_907 : vector<16xi32>
        %add3A_910 = arith.constant 2 : i32
        %add3A_911 = vector.broadcast %add3A_910 : i32 to vector<16xi32>
        %add3A_912 = arith.addi %add3A_909, %add3A_911 : vector<16xi32>
        %select_n3A_913 = arith.select %ge3A_899, %add3A_902, %add3A_912 : vector<16xi1>, vector<16xi32>
        %gather3A_914 = tpu.vector_load_idx %arg4[%select_n3A_913] : memref<27664xf32, #tpu.memory_space<vmem>>[vector<16xi32>], vector<16xf32>,
        %mul3A_915 = arith.constant 128 : i32
        %mul3A_916 = arith.muli %select_n3A_88, %mul3A_915 : i32
        %add3A_917 = vector.broadcast %mul3A_916 : i32 to vector<16xi32>
        %add3A_918 = arith.addi %add3A_917, %add3A_887 : vector<16xi32>
        %mul3A_919 = arith.constant 128 : i32
        %mul3A_920 = vector.broadcast %mul3A_919 : i32 to vector<16xi32>
        %mul3A_921 = arith.muli %add3A_918, %mul3A_920 : vector<16xi32>
        %mul3A_922 = arith.constant 9 : i32
        %mul3A_923 = arith.muli %select_n3A_128, %mul3A_922 : i32
        %mul3A_924 = arith.constant 3 : i32
        %mul3A_925 = arith.muli %select_n3A_144, %mul3A_924 : i32
        %add3A_926 = arith.addi %mul3A_923, %mul3A_925 : i32
        %add3A_927 = arith.constant 2 : i32
        %add3A_928 = arith.addi %add3A_926, %add3A_927 : i32
        %add3A_929 = vector.broadcast %add3A_928 : i32 to vector<16xi32>
        %add3A_930 = arith.addi %mul3A_921, %add3A_929 : vector<16xi32>
        tpu.vector_store_idx %arg5[%add3A_930], %gather3A_914 : memref<65536xf32, #tpu.memory_space<vmem>>[vector<16xi32>], vector<16xf32>,
        %add3A_931 = arith.constant 16 : i32
        %add3A_932 = vector.broadcast %add3A_931 : i32 to vector<16xi32>
        %add3A_933 = arith.addi %add3A_932, %iota3A : vector<16xi32>
        %mul3A_934 = arith.constant 4 : i32
        %mul3A_935 = vector.broadcast %mul3A_934 : i32 to vector<16xi32>
        %mul3A_936 = arith.muli %mul3A_935, %add3A_933 : vector<16xi32>
        %mul3A_937 = arith.constant 2 : i32
        %mul3A_938 = arith.muli %mul3A_937, %select_n3A_49 : i32
        %add3A_939 = vector.broadcast %mul3A_938 : i32 to vector<16xi32>
        %add3A_940 = arith.addi %mul3A_936, %add3A_939 : vector<16xi32>
        %add3A_941 = vector.broadcast %select_n3A_144 : i32 to vector<16xi32>
        %add3A_942 = arith.addi %add3A_940, %add3A_941 : vector<16xi32>
        %ge3A_943 = arith.constant 512 : i32
        %ge3A_944 = vector.broadcast %ge3A_943 : i32 to vector<16xi32>
        %ge3A_945 = arith.cmpi sge, %add3A_942, %ge3A_944 : vector<16xi32>
        %add3A_946 = arith.constant 27648 : i32
        %add3A_947 = vector.broadcast %add3A_946 : i32 to vector<16xi32>
        %add3A_948 = arith.addi %add3A_947, %iota3A : vector<16xi32>
        %mul3A_949 = arith.constant 1536 : i32
        %mul3A_950 = arith.muli %add3A_150, %mul3A_949 : i32
        %mul3A_951 = arith.constant 3 : i32
        %mul3A_952 = vector.broadcast %mul3A_951 : i32 to vector<16xi32>
        %mul3A_953 = arith.muli %add3A_942, %mul3A_952 : vector<16xi32>
        %add3A_954 = vector.broadcast %mul3A_950 : i32 to vector<16xi32>
        %add3A_955 = arith.addi %add3A_954, %mul3A_953 : vector<16xi32>
        %add3A_956 = arith.constant 2 : i32
        %add3A_957 = vector.broadcast %add3A_956 : i32 to vector<16xi32>
        %add3A_958 = arith.addi %add3A_955, %add3A_957 : vector<16xi32>
        %select_n3A_959 = arith.select %ge3A_945, %add3A_948, %add3A_958 : vector<16xi1>, vector<16xi32>
        %gather3A_960 = tpu.vector_load_idx %arg4[%select_n3A_959] : memref<27664xf32, #tpu.memory_space<vmem>>[vector<16xi32>], vector<16xf32>,
        %mul3A_961 = arith.constant 128 : i32
        %mul3A_962 = arith.muli %select_n3A_88, %mul3A_961 : i32
        %add3A_963 = vector.broadcast %mul3A_962 : i32 to vector<16xi32>
        %add3A_964 = arith.addi %add3A_963, %add3A_933 : vector<16xi32>
        %mul3A_965 = arith.constant 128 : i32
        %mul3A_966 = vector.broadcast %mul3A_965 : i32 to vector<16xi32>
        %mul3A_967 = arith.muli %add3A_964, %mul3A_966 : vector<16xi32>
        %mul3A_968 = arith.constant 9 : i32
        %mul3A_969 = arith.muli %select_n3A_128, %mul3A_968 : i32
        %mul3A_970 = arith.constant 3 : i32
        %mul3A_971 = arith.muli %select_n3A_144, %mul3A_970 : i32
        %add3A_972 = arith.addi %mul3A_969, %mul3A_971 : i32
        %add3A_973 = arith.constant 2 : i32
        %add3A_974 = arith.addi %add3A_972, %add3A_973 : i32
        %add3A_975 = vector.broadcast %add3A_974 : i32 to vector<16xi32>
        %add3A_976 = arith.addi %mul3A_967, %add3A_975 : vector<16xi32>
        tpu.vector_store_idx %arg5[%add3A_976], %gather3A_960 : memref<65536xf32, #tpu.memory_space<vmem>>[vector<16xi32>], vector<16xf32>,
        %add3A_977 = arith.constant 32 : i32
        %add3A_978 = vector.broadcast %add3A_977 : i32 to vector<16xi32>
        %add3A_979 = arith.addi %add3A_978, %iota3A : vector<16xi32>
        %mul3A_980 = arith.constant 4 : i32
        %mul3A_981 = vector.broadcast %mul3A_980 : i32 to vector<16xi32>
        %mul3A_982 = arith.muli %mul3A_981, %add3A_979 : vector<16xi32>
        %mul3A_983 = arith.constant 2 : i32
        %mul3A_984 = arith.muli %mul3A_983, %select_n3A_49 : i32
        %add3A_985 = vector.broadcast %mul3A_984 : i32 to vector<16xi32>
        %add3A_986 = arith.addi %mul3A_982, %add3A_985 : vector<16xi32>
        %add3A_987 = vector.broadcast %select_n3A_144 : i32 to vector<16xi32>
        %add3A_988 = arith.addi %add3A_986, %add3A_987 : vector<16xi32>
        %ge3A_989 = arith.constant 512 : i32
        %ge3A_990 = vector.broadcast %ge3A_989 : i32 to vector<16xi32>
        %ge3A_991 = arith.cmpi sge, %add3A_988, %ge3A_990 : vector<16xi32>
        %add3A_992 = arith.constant 27648 : i32
        %add3A_993 = vector.broadcast %add3A_992 : i32 to vector<16xi32>
        %add3A_994 = arith.addi %add3A_993, %iota3A : vector<16xi32>
        %mul3A_995 = arith.constant 1536 : i32
        %mul3A_996 = arith.muli %add3A_150, %mul3A_995 : i32
        %mul3A_997 = arith.constant 3 : i32
        %mul3A_998 = vector.broadcast %mul3A_997 : i32 to vector<16xi32>
        %mul3A_999 = arith.muli %add3A_988, %mul3A_998 : vector<16xi32>
        %add3A_1000 = vector.broadcast %mul3A_996 : i32 to vector<16xi32>
        %add3A_1001 = arith.addi %add3A_1000, %mul3A_999 : vector<16xi32>
        %add3A_1002 = arith.constant 2 : i32
        %add3A_1003 = vector.broadcast %add3A_1002 : i32 to vector<16xi32>
        %add3A_1004 = arith.addi %add3A_1001, %add3A_1003 : vector<16xi32>
        %select_n3A_1005 = arith.select %ge3A_991, %add3A_994, %add3A_1004 : vector<16xi1>, vector<16xi32>
        %gather3A_1006 = tpu.vector_load_idx %arg4[%select_n3A_1005] : memref<27664xf32, #tpu.memory_space<vmem>>[vector<16xi32>], vector<16xf32>,
        %mul3A_1007 = arith.constant 128 : i32
        %mul3A_1008 = arith.muli %select_n3A_88, %mul3A_1007 : i32
        %add3A_1009 = vector.broadcast %mul3A_1008 : i32 to vector<16xi32>
        %add3A_1010 = arith.addi %add3A_1009, %add3A_979 : vector<16xi32>
        %mul3A_1011 = arith.constant 128 : i32
        %mul3A_1012 = vector.broadcast %mul3A_1011 : i32 to vector<16xi32>
        %mul3A_1013 = arith.muli %add3A_1010, %mul3A_1012 : vector<16xi32>
        %mul3A_1014 = arith.constant 9 : i32
        %mul3A_1015 = arith.muli %select_n3A_128, %mul3A_1014 : i32
        %mul3A_1016 = arith.constant 3 : i32
        %mul3A_1017 = arith.muli %select_n3A_144, %mul3A_1016 : i32
        %add3A_1018 = arith.addi %mul3A_1015, %mul3A_1017 : i32
        %add3A_1019 = arith.constant 2 : i32
        %add3A_1020 = arith.addi %add3A_1018, %add3A_1019 : i32
        %add3A_1021 = vector.broadcast %add3A_1020 : i32 to vector<16xi32>
        %add3A_1022 = arith.addi %mul3A_1013, %add3A_1021 : vector<16xi32>
        tpu.vector_store_idx %arg5[%add3A_1022], %gather3A_1006 : memref<65536xf32, #tpu.memory_space<vmem>>[vector<16xi32>], vector<16xf32>,
        %add3A_1023 = arith.constant 48 : i32
        %add3A_1024 = vector.broadcast %add3A_1023 : i32 to vector<16xi32>
        %add3A_1025 = arith.addi %add3A_1024, %iota3A : vector<16xi32>
        %mul3A_1026 = arith.constant 4 : i32
        %mul3A_1027 = vector.broadcast %mul3A_1026 : i32 to vector<16xi32>
        %mul3A_1028 = arith.muli %mul3A_1027, %add3A_1025 : vector<16xi32>
        %mul3A_1029 = arith.constant 2 : i32
        %mul3A_1030 = arith.muli %mul3A_1029, %select_n3A_49 : i32
        %add3A_1031 = vector.broadcast %mul3A_1030 : i32 to vector<16xi32>
        %add3A_1032 = arith.addi %mul3A_1028, %add3A_1031 : vector<16xi32>
        %add3A_1033 = vector.broadcast %select_n3A_144 : i32 to vector<16xi32>
        %add3A_1034 = arith.addi %add3A_1032, %add3A_1033 : vector<16xi32>
        %ge3A_1035 = arith.constant 512 : i32
        %ge3A_1036 = vector.broadcast %ge3A_1035 : i32 to vector<16xi32>
        %ge3A_1037 = arith.cmpi sge, %add3A_1034, %ge3A_1036 : vector<16xi32>
        %add3A_1038 = arith.constant 27648 : i32
        %add3A_1039 = vector.broadcast %add3A_1038 : i32 to vector<16xi32>
        %add3A_1040 = arith.addi %add3A_1039, %iota3A : vector<16xi32>
        %mul3A_1041 = arith.constant 1536 : i32
        %mul3A_1042 = arith.muli %add3A_150, %mul3A_1041 : i32
        %mul3A_1043 = arith.constant 3 : i32
        %mul3A_1044 = vector.broadcast %mul3A_1043 : i32 to vector<16xi32>
        %mul3A_1045 = arith.muli %add3A_1034, %mul3A_1044 : vector<16xi32>
        %add3A_1046 = vector.broadcast %mul3A_1042 : i32 to vector<16xi32>
        %add3A_1047 = arith.addi %add3A_1046, %mul3A_1045 : vector<16xi32>
        %add3A_1048 = arith.constant 2 : i32
        %add3A_1049 = vector.broadcast %add3A_1048 : i32 to vector<16xi32>
        %add3A_1050 = arith.addi %add3A_1047, %add3A_1049 : vector<16xi32>
        %select_n3A_1051 = arith.select %ge3A_1037, %add3A_1040, %add3A_1050 : vector<16xi1>, vector<16xi32>
        %gather3A_1052 = tpu.vector_load_idx %arg4[%select_n3A_1051] : memref<27664xf32, #tpu.memory_space<vmem>>[vector<16xi32>], vector<16xf32>,
        %mul3A_1053 = arith.constant 128 : i32
        %mul3A_1054 = arith.muli %select_n3A_88, %mul3A_1053 : i32
        %add3A_1055 = vector.broadcast %mul3A_1054 : i32 to vector<16xi32>
        %add3A_1056 = arith.addi %add3A_1055, %add3A_1025 : vector<16xi32>
        %mul3A_1057 = arith.constant 128 : i32
        %mul3A_1058 = vector.broadcast %mul3A_1057 : i32 to vector<16xi32>
        %mul3A_1059 = arith.muli %add3A_1056, %mul3A_1058 : vector<16xi32>
        %mul3A_1060 = arith.constant 9 : i32
        %mul3A_1061 = arith.muli %select_n3A_128, %mul3A_1060 : i32
        %mul3A_1062 = arith.constant 3 : i32
        %mul3A_1063 = arith.muli %select_n3A_144, %mul3A_1062 : i32
        %add3A_1064 = arith.addi %mul3A_1061, %mul3A_1063 : i32
        %add3A_1065 = arith.constant 2 : i32
        %add3A_1066 = arith.addi %add3A_1064, %add3A_1065 : i32
        %add3A_1067 = vector.broadcast %add3A_1066 : i32 to vector<16xi32>
        %add3A_1068 = arith.addi %mul3A_1059, %add3A_1067 : vector<16xi32>
        tpu.vector_store_idx %arg5[%add3A_1068], %gather3A_1052 : memref<65536xf32, #tpu.memory_space<vmem>>[vector<16xi32>], vector<16xf32>,
        %add3A_1069 = arith.constant 64 : i32
        %add3A_1070 = vector.broadcast %add3A_1069 : i32 to vector<16xi32>
        %add3A_1071 = arith.addi %add3A_1070, %iota3A : vector<16xi32>
        %mul3A_1072 = arith.constant 4 : i32
        %mul3A_1073 = vector.broadcast %mul3A_1072 : i32 to vector<16xi32>
        %mul3A_1074 = arith.muli %mul3A_1073, %add3A_1071 : vector<16xi32>
        %mul3A_1075 = arith.constant 2 : i32
        %mul3A_1076 = arith.muli %mul3A_1075, %select_n3A_49 : i32
        %add3A_1077 = vector.broadcast %mul3A_1076 : i32 to vector<16xi32>
        %add3A_1078 = arith.addi %mul3A_1074, %add3A_1077 : vector<16xi32>
        %add3A_1079 = vector.broadcast %select_n3A_144 : i32 to vector<16xi32>
        %add3A_1080 = arith.addi %add3A_1078, %add3A_1079 : vector<16xi32>
        %ge3A_1081 = arith.constant 512 : i32
        %ge3A_1082 = vector.broadcast %ge3A_1081 : i32 to vector<16xi32>
        %ge3A_1083 = arith.cmpi sge, %add3A_1080, %ge3A_1082 : vector<16xi32>
        %add3A_1084 = arith.constant 27648 : i32
        %add3A_1085 = vector.broadcast %add3A_1084 : i32 to vector<16xi32>
        %add3A_1086 = arith.addi %add3A_1085, %iota3A : vector<16xi32>
        %mul3A_1087 = arith.constant 1536 : i32
        %mul3A_1088 = arith.muli %add3A_150, %mul3A_1087 : i32
        %mul3A_1089 = arith.constant 3 : i32
        %mul3A_1090 = vector.broadcast %mul3A_1089 : i32 to vector<16xi32>
        %mul3A_1091 = arith.muli %add3A_1080, %mul3A_1090 : vector<16xi32>
        %add3A_1092 = vector.broadcast %mul3A_1088 : i32 to vector<16xi32>
        %add3A_1093 = arith.addi %add3A_1092, %mul3A_1091 : vector<16xi32>
        %add3A_1094 = arith.constant 2 : i32
        %add3A_1095 = vector.broadcast %add3A_1094 : i32 to vector<16xi32>
        %add3A_1096 = arith.addi %add3A_1093, %add3A_1095 : vector<16xi32>
        %select_n3A_1097 = arith.select %ge3A_1083, %add3A_1086, %add3A_1096 : vector<16xi1>, vector<16xi32>
        %gather3A_1098 = tpu.vector_load_idx %arg4[%select_n3A_1097] : memref<27664xf32, #tpu.memory_space<vmem>>[vector<16xi32>], vector<16xf32>,
        %mul3A_1099 = arith.constant 128 : i32
        %mul3A_1100 = arith.muli %select_n3A_88, %mul3A_1099 : i32
        %add3A_1101 = vector.broadcast %mul3A_1100 : i32 to vector<16xi32>
        %add3A_1102 = arith.addi %add3A_1101, %add3A_1071 : vector<16xi32>
        %mul3A_1103 = arith.constant 128 : i32
        %mul3A_1104 = vector.broadcast %mul3A_1103 : i32 to vector<16xi32>
        %mul3A_1105 = arith.muli %add3A_1102, %mul3A_1104 : vector<16xi32>
        %mul3A_1106 = arith.constant 9 : i32
        %mul3A_1107 = arith.muli %select_n3A_128, %mul3A_1106 : i32
        %mul3A_1108 = arith.constant 3 : i32
        %mul3A_1109 = arith.muli %select_n3A_144, %mul3A_1108 : i32
        %add3A_1110 = arith.addi %mul3A_1107, %mul3A_1109 : i32
        %add3A_1111 = arith.constant 2 : i32
        %add3A_1112 = arith.addi %add3A_1110, %add3A_1111 : i32
        %add3A_1113 = vector.broadcast %add3A_1112 : i32 to vector<16xi32>
        %add3A_1114 = arith.addi %mul3A_1105, %add3A_1113 : vector<16xi32>
        tpu.vector_store_idx %arg5[%add3A_1114], %gather3A_1098 : memref<65536xf32, #tpu.memory_space<vmem>>[vector<16xi32>], vector<16xf32>,
        %add3A_1115 = arith.constant 80 : i32
        %add3A_1116 = vector.broadcast %add3A_1115 : i32 to vector<16xi32>
        %add3A_1117 = arith.addi %add3A_1116, %iota3A : vector<16xi32>
        %mul3A_1118 = arith.constant 4 : i32
        %mul3A_1119 = vector.broadcast %mul3A_1118 : i32 to vector<16xi32>
        %mul3A_1120 = arith.muli %mul3A_1119, %add3A_1117 : vector<16xi32>
        %mul3A_1121 = arith.constant 2 : i32
        %mul3A_1122 = arith.muli %mul3A_1121, %select_n3A_49 : i32
        %add3A_1123 = vector.broadcast %mul3A_1122 : i32 to vector<16xi32>
        %add3A_1124 = arith.addi %mul3A_1120, %add3A_1123 : vector<16xi32>
        %add3A_1125 = vector.broadcast %select_n3A_144 : i32 to vector<16xi32>
        %add3A_1126 = arith.addi %add3A_1124, %add3A_1125 : vector<16xi32>
        %ge3A_1127 = arith.constant 512 : i32
        %ge3A_1128 = vector.broadcast %ge3A_1127 : i32 to vector<16xi32>
        %ge3A_1129 = arith.cmpi sge, %add3A_1126, %ge3A_1128 : vector<16xi32>
        %add3A_1130 = arith.constant 27648 : i32
        %add3A_1131 = vector.broadcast %add3A_1130 : i32 to vector<16xi32>
        %add3A_1132 = arith.addi %add3A_1131, %iota3A : vector<16xi32>
        %mul3A_1133 = arith.constant 1536 : i32
        %mul3A_1134 = arith.muli %add3A_150, %mul3A_1133 : i32
        %mul3A_1135 = arith.constant 3 : i32
        %mul3A_1136 = vector.broadcast %mul3A_1135 : i32 to vector<16xi32>
        %mul3A_1137 = arith.muli %add3A_1126, %mul3A_1136 : vector<16xi32>
        %add3A_1138 = vector.broadcast %mul3A_1134 : i32 to vector<16xi32>
        %add3A_1139 = arith.addi %add3A_1138, %mul3A_1137 : vector<16xi32>
        %add3A_1140 = arith.constant 2 : i32
        %add3A_1141 = vector.broadcast %add3A_1140 : i32 to vector<16xi32>
        %add3A_1142 = arith.addi %add3A_1139, %add3A_1141 : vector<16xi32>
        %select_n3A_1143 = arith.select %ge3A_1129, %add3A_1132, %add3A_1142 : vector<16xi1>, vector<16xi32>
        %gather3A_1144 = tpu.vector_load_idx %arg4[%select_n3A_1143] : memref<27664xf32, #tpu.memory_space<vmem>>[vector<16xi32>], vector<16xf32>,
        %mul3A_1145 = arith.constant 128 : i32
        %mul3A_1146 = arith.muli %select_n3A_88, %mul3A_1145 : i32
        %add3A_1147 = vector.broadcast %mul3A_1146 : i32 to vector<16xi32>
        %add3A_1148 = arith.addi %add3A_1147, %add3A_1117 : vector<16xi32>
        %mul3A_1149 = arith.constant 128 : i32
        %mul3A_1150 = vector.broadcast %mul3A_1149 : i32 to vector<16xi32>
        %mul3A_1151 = arith.muli %add3A_1148, %mul3A_1150 : vector<16xi32>
        %mul3A_1152 = arith.constant 9 : i32
        %mul3A_1153 = arith.muli %select_n3A_128, %mul3A_1152 : i32
        %mul3A_1154 = arith.constant 3 : i32
        %mul3A_1155 = arith.muli %select_n3A_144, %mul3A_1154 : i32
        %add3A_1156 = arith.addi %mul3A_1153, %mul3A_1155 : i32
        %add3A_1157 = arith.constant 2 : i32
        %add3A_1158 = arith.addi %add3A_1156, %add3A_1157 : i32
        %add3A_1159 = vector.broadcast %add3A_1158 : i32 to vector<16xi32>
        %add3A_1160 = arith.addi %mul3A_1151, %add3A_1159 : vector<16xi32>
        tpu.vector_store_idx %arg5[%add3A_1160], %gather3A_1144 : memref<65536xf32, #tpu.memory_space<vmem>>[vector<16xi32>], vector<16xf32>,
        %add3A_1161 = arith.constant 96 : i32
        %add3A_1162 = vector.broadcast %add3A_1161 : i32 to vector<16xi32>
        %add3A_1163 = arith.addi %add3A_1162, %iota3A : vector<16xi32>
        %mul3A_1164 = arith.constant 4 : i32
        %mul3A_1165 = vector.broadcast %mul3A_1164 : i32 to vector<16xi32>
        %mul3A_1166 = arith.muli %mul3A_1165, %add3A_1163 : vector<16xi32>
        %mul3A_1167 = arith.constant 2 : i32
        %mul3A_1168 = arith.muli %mul3A_1167, %select_n3A_49 : i32
        %add3A_1169 = vector.broadcast %mul3A_1168 : i32 to vector<16xi32>
        %add3A_1170 = arith.addi %mul3A_1166, %add3A_1169 : vector<16xi32>
        %add3A_1171 = vector.broadcast %select_n3A_144 : i32 to vector<16xi32>
        %add3A_1172 = arith.addi %add3A_1170, %add3A_1171 : vector<16xi32>
        %ge3A_1173 = arith.constant 512 : i32
        %ge3A_1174 = vector.broadcast %ge3A_1173 : i32 to vector<16xi32>
        %ge3A_1175 = arith.cmpi sge, %add3A_1172, %ge3A_1174 : vector<16xi32>
        %add3A_1176 = arith.constant 27648 : i32
        %add3A_1177 = vector.broadcast %add3A_1176 : i32 to vector<16xi32>
        %add3A_1178 = arith.addi %add3A_1177, %iota3A : vector<16xi32>
        %mul3A_1179 = arith.constant 1536 : i32
        %mul3A_1180 = arith.muli %add3A_150, %mul3A_1179 : i32
        %mul3A_1181 = arith.constant 3 : i32
        %mul3A_1182 = vector.broadcast %mul3A_1181 : i32 to vector<16xi32>
        %mul3A_1183 = arith.muli %add3A_1172, %mul3A_1182 : vector<16xi32>
        %add3A_1184 = vector.broadcast %mul3A_1180 : i32 to vector<16xi32>
        %add3A_1185 = arith.addi %add3A_1184, %mul3A_1183 : vector<16xi32>
        %add3A_1186 = arith.constant 2 : i32
        %add3A_1187 = vector.broadcast %add3A_1186 : i32 to vector<16xi32>
        %add3A_1188 = arith.addi %add3A_1185, %add3A_1187 : vector<16xi32>
        %select_n3A_1189 = arith.select %ge3A_1175, %add3A_1178, %add3A_1188 : vector<16xi1>, vector<16xi32>
        %gather3A_1190 = tpu.vector_load_idx %arg4[%select_n3A_1189] : memref<27664xf32, #tpu.memory_space<vmem>>[vector<16xi32>], vector<16xf32>,
        %mul3A_1191 = arith.constant 128 : i32
        %mul3A_1192 = arith.muli %select_n3A_88, %mul3A_1191 : i32
        %add3A_1193 = vector.broadcast %mul3A_1192 : i32 to vector<16xi32>
        %add3A_1194 = arith.addi %add3A_1193, %add3A_1163 : vector<16xi32>
        %mul3A_1195 = arith.constant 128 : i32
        %mul3A_1196 = vector.broadcast %mul3A_1195 : i32 to vector<16xi32>
        %mul3A_1197 = arith.muli %add3A_1194, %mul3A_1196 : vector<16xi32>
        %mul3A_1198 = arith.constant 9 : i32
        %mul3A_1199 = arith.muli %select_n3A_128, %mul3A_1198 : i32
        %mul3A_1200 = arith.constant 3 : i32
        %mul3A_1201 = arith.muli %select_n3A_144, %mul3A_1200 : i32
        %add3A_1202 = arith.addi %mul3A_1199, %mul3A_1201 : i32
        %add3A_1203 = arith.constant 2 : i32
        %add3A_1204 = arith.addi %add3A_1202, %add3A_1203 : i32
        %add3A_1205 = vector.broadcast %add3A_1204 : i32 to vector<16xi32>
        %add3A_1206 = arith.addi %mul3A_1197, %add3A_1205 : vector<16xi32>
        tpu.vector_store_idx %arg5[%add3A_1206], %gather3A_1190 : memref<65536xf32, #tpu.memory_space<vmem>>[vector<16xi32>], vector<16xf32>,
        %add3A_1207 = arith.constant 112 : i32
        %add3A_1208 = vector.broadcast %add3A_1207 : i32 to vector<16xi32>
        %add3A_1209 = arith.addi %add3A_1208, %iota3A : vector<16xi32>
        %mul3A_1210 = arith.constant 4 : i32
        %mul3A_1211 = vector.broadcast %mul3A_1210 : i32 to vector<16xi32>
        %mul3A_1212 = arith.muli %mul3A_1211, %add3A_1209 : vector<16xi32>
        %mul3A_1213 = arith.constant 2 : i32
        %mul3A_1214 = arith.muli %mul3A_1213, %select_n3A_49 : i32
        %add3A_1215 = vector.broadcast %mul3A_1214 : i32 to vector<16xi32>
        %add3A_1216 = arith.addi %mul3A_1212, %add3A_1215 : vector<16xi32>
        %add3A_1217 = vector.broadcast %select_n3A_144 : i32 to vector<16xi32>
        %add3A_1218 = arith.addi %add3A_1216, %add3A_1217 : vector<16xi32>
        %ge3A_1219 = arith.constant 512 : i32
        %ge3A_1220 = vector.broadcast %ge3A_1219 : i32 to vector<16xi32>
        %ge3A_1221 = arith.cmpi sge, %add3A_1218, %ge3A_1220 : vector<16xi32>
        %add3A_1222 = arith.constant 27648 : i32
        %add3A_1223 = vector.broadcast %add3A_1222 : i32 to vector<16xi32>
        %add3A_1224 = arith.addi %add3A_1223, %iota3A : vector<16xi32>
        %mul3A_1225 = arith.constant 1536 : i32
        %mul3A_1226 = arith.muli %add3A_150, %mul3A_1225 : i32
        %mul3A_1227 = arith.constant 3 : i32
        %mul3A_1228 = vector.broadcast %mul3A_1227 : i32 to vector<16xi32>
        %mul3A_1229 = arith.muli %add3A_1218, %mul3A_1228 : vector<16xi32>
        %add3A_1230 = vector.broadcast %mul3A_1226 : i32 to vector<16xi32>
        %add3A_1231 = arith.addi %add3A_1230, %mul3A_1229 : vector<16xi32>
        %add3A_1232 = arith.constant 2 : i32
        %add3A_1233 = vector.broadcast %add3A_1232 : i32 to vector<16xi32>
        %add3A_1234 = arith.addi %add3A_1231, %add3A_1233 : vector<16xi32>
        %select_n3A_1235 = arith.select %ge3A_1221, %add3A_1224, %add3A_1234 : vector<16xi1>, vector<16xi32>
        %gather3A_1236 = tpu.vector_load_idx %arg4[%select_n3A_1235] : memref<27664xf32, #tpu.memory_space<vmem>>[vector<16xi32>], vector<16xf32>,
        %mul3A_1237 = arith.constant 128 : i32
        %mul3A_1238 = arith.muli %select_n3A_88, %mul3A_1237 : i32
        %add3A_1239 = vector.broadcast %mul3A_1238 : i32 to vector<16xi32>
        %add3A_1240 = arith.addi %add3A_1239, %add3A_1209 : vector<16xi32>
        %mul3A_1241 = arith.constant 128 : i32
        %mul3A_1242 = vector.broadcast %mul3A_1241 : i32 to vector<16xi32>
        %mul3A_1243 = arith.muli %add3A_1240, %mul3A_1242 : vector<16xi32>
        %mul3A_1244 = arith.constant 9 : i32
        %mul3A_1245 = arith.muli %select_n3A_128, %mul3A_1244 : i32
        %mul3A_1246 = arith.constant 3 : i32
        %mul3A_1247 = arith.muli %select_n3A_144, %mul3A_1246 : i32
        %add3A_1248 = arith.addi %mul3A_1245, %mul3A_1247 : i32
        %add3A_1249 = arith.constant 2 : i32
        %add3A_1250 = arith.addi %add3A_1248, %add3A_1249 : i32
        %add3A_1251 = vector.broadcast %add3A_1250 : i32 to vector<16xi32>
        %add3A_1252 = arith.addi %mul3A_1243, %add3A_1251 : vector<16xi32>
        tpu.vector_store_idx %arg5[%add3A_1252], %gather3A_1236 : memref<65536xf32, #tpu.memory_space<vmem>>[vector<16xi32>], vector<16xf32>,
        %scan3A_1253 = arith.constant 0 : i32
        scf.yield %scan3A_1253 : i32
      }
      %scan3A_56 = arith.constant 36 : i32
      %mul3A_57 = arith.constant 2097152 : i32
      %mul3A_58 = arith.muli %scan3A_18, %mul3A_57 : i32
      %mul3A_59 = arith.constant 65536 : i32
      %mul3A_60 = arith.muli %add3A, %mul3A_59 : i32
      %add3A_61 = arith.addi %mul3A_58, %mul3A_60 : i32
      "tpu.region"() ({
        %run_scoped3A = tpu.sem_alloc : memref<!tpu.dma_semaphore, #tpu.memory_space<semaphore_mem>>
        %dma_start3A = tpu.memref_slice %arg3[%add3A_61] : memref<8388608xf32, #tpu.memory_space<hbm>> -> memref<65536xf32, #tpu.memory_space<hbm>>
        %dma_start3A_63 = tpu.memref_slice %arg3[%add3A_61] : memref<8388608xf32, #tpu.memory_space<hbm>> -> memref<65536xf32, #tpu.memory_space<hbm>>
        tpu.enqueue_dma source(%arg5 : memref<65536xf32, #tpu.memory_space<vmem>>) target(%dma_start3A_63 : memref<65536xf32, #tpu.memory_space<hbm>>) target_semaphore(%run_scoped3A : memref<!tpu.dma_semaphore, #tpu.memory_space<semaphore_mem>>)
        %dma_wait3A = tpu.memref_slice %arg3[%add3A_61] : memref<8388608xf32, #tpu.memory_space<hbm>> -> memref<65536xf32, #tpu.memory_space<hbm>>
        %dma_wait3A_64 = tpu.memref_slice %arg3[%add3A_61] : memref<8388608xf32, #tpu.memory_space<hbm>> -> memref<65536xf32, #tpu.memory_space<hbm>>
        tpu.wait_dma2 semaphore(%run_scoped3A : memref<!tpu.dma_semaphore, #tpu.memory_space<semaphore_mem>>) src(%arg5 : memref<65536xf32, #tpu.memory_space<vmem>>) dst(%dma_wait3A_64 : memref<65536xf32, #tpu.memory_space<hbm>>)
        tpu.yield
      }) : () -> ()
      %scan3A_62 = arith.constant 0 : i32
      scf.yield %scan3A_62 : i32
    }
    %scan3A_17 = arith.constant 4 : i32
    return
  }
}

module attributes {stable_mosaic.version = 14 : i64} {
  func.func @_conv1_kernel(%arg0: i32, %arg1: memref<4096x128xf32, #tpu.memory_space<vmem>>, %arg2: memref<128x64xf32, #tpu.memory_space<vmem>>, %arg3: memref<4096x64xf32, #tpu.memory_space<vmem>>) attributes {dimension_semantics = [#tpu.dimension_semantics<arbitrary>], iteration_bounds = array<i64: 16>, scalar_prefetch = 0 : i64, scratch_operands = 0 : i64, tpu.core_type = #tpu.core_type<tc>, window_params = [{transform_indices = @transform_0, window_bounds = array<i64: 4096, 128>}, {pipeline_mode = #tpu.pipeline_mode<synchronous>, transform_indices = @transform_1, window_bounds = array<i64: 128, 64>}, {transform_indices = @transform_2, window_bounds = array<i64: 4096, 64>}]} {
    %get3A = arith.constant 0 : index
    %get3A_0 = arith.constant 0 : index
    %get3A_1 = vector.load %arg1[%get3A, %get3A_0] : memref<4096x128xf32, #tpu.memory_space<vmem>>, vector<4096x128xf32>
    %get3A_2 = arith.constant 0 : index
    %get3A_3 = arith.constant 0 : index
    %get3A_4 = vector.load %arg2[%get3A_2, %get3A_3] : memref<128x64xf32, #tpu.memory_space<vmem>>, vector<128x64xf32>
    %dot_general3A = arith.constant dense<0.000000e+00> : vector<4096x64xf32>
    %dot_general3A_5 = tpu.matmul %get3A_1, %get3A_4, %dot_general3A {dimension_numbers = #tpu.dot_dimension_numbers<[1], [0], [0], [1], [0, 0, 1, 1], [], []>, transpose_lhs_hint = false} : vector<4096x128xf32>, vector<128x64xf32>, vector<4096x64xf32> -> vector<4096x64xf32>
    %max3A = arith.constant 0.000000e+00 : f32
    %max3A_6 = vector.broadcast %max3A : f32 to vector<4096x64xf32>
    %max3A_7 = arith.maximumf %dot_general3A_5, %max3A_6 : vector<4096x64xf32>
    %swap3A = arith.constant 0 : index
    %swap3A_8 = arith.constant 0 : index
    %swap3A_9 = vector.load %arg3[%swap3A, %swap3A_8] : memref<4096x64xf32, #tpu.memory_space<vmem>>, vector<4096x64xf32>
    tpu.vector_store %arg3[%swap3A, %swap3A_8], %max3A_7 {strides = array<i32>} : memref<4096x64xf32, #tpu.memory_space<vmem>>, vector<4096x64xf32>,
    return
  }
  func.func @transform_0(%arg0: i32) -> (i32, i32) {
    %c0_i32 = arith.constant 0 : i32
    %c0_i32_0 = arith.constant 0 : i32
    return %arg0, %c0_i32 : i32, i32
  }
  func.func @transform_1(%arg0: i32) -> (i32, i32) {
    %c0_i32 = arith.constant 0 : i32
    %c0_i32_0 = arith.constant 0 : i32
    %c0_i32_1 = arith.constant 0 : i32
    return %c0_i32, %c0_i32_0 : i32, i32
  }
  func.func @transform_2(%arg0: i32) -> (i32, i32) {
    %c0_i32 = arith.constant 0 : i32
    %c0_i32_0 = arith.constant 0 : i32
    return %arg0, %c0_i32 : i32, i32
  }
}

module attributes {stable_mosaic.version = 14 : i64} {
  func.func @_conv2_head_kernel(%arg0: i32, %arg1: memref<16520x64xf32, #tpu.memory_space<vmem>>, %arg2: memref<16520x64xf32, #tpu.memory_space<vmem>>, %arg3: memref<16520x64xf32, #tpu.memory_space<vmem>>, %arg4: memref<16520x64xf32, #tpu.memory_space<vmem>>, %arg5: memref<576x64xf32, #tpu.memory_space<vmem>>, %arg6: memref<64x128xf32, #tpu.memory_space<vmem>>, %arg7: memref<16x128xf32, #tpu.memory_space<vmem>>, %arg8: memref<16x128xf32, #tpu.memory_space<vmem>>, %arg9: memref<16x128xf32, #tpu.memory_space<vmem>>) attributes {dimension_semantics = [#tpu.dimension_semantics<arbitrary>], iteration_bounds = array<i64: 8>, scalar_prefetch = 0 : i64, scratch_operands = 0 : i64, tpu.core_type = #tpu.core_type<tc>, window_params = [{pipeline_mode = #tpu.pipeline_mode<synchronous>, transform_indices = @transform_0, window_bounds = array<i64: 16520, 64>}, {pipeline_mode = #tpu.pipeline_mode<synchronous>, transform_indices = @transform_1, window_bounds = array<i64: 16520, 64>}, {pipeline_mode = #tpu.pipeline_mode<synchronous>, transform_indices = @transform_2, window_bounds = array<i64: 16520, 64>}, {pipeline_mode = #tpu.pipeline_mode<synchronous>, transform_indices = @transform_3, window_bounds = array<i64: 16520, 64>}, {pipeline_mode = #tpu.pipeline_mode<synchronous>, transform_indices = @transform_4, window_bounds = array<i64: 576, 64>}, {pipeline_mode = #tpu.pipeline_mode<synchronous>, transform_indices = @transform_5, window_bounds = array<i64: 64, 128>}, {transform_indices = @transform_6, window_bounds = array<i64: 16, 128>}, {transform_indices = @transform_7, window_bounds = array<i64: 16, 128>}, {transform_indices = @transform_8, window_bounds = array<i64: 16, 128>}]} {
    %mul3A = arith.constant 2048 : i32
    %mul3A_0 = arith.muli %arg0, %mul3A : i32
    %iota3A = tpu.iota {dimensions = array<i32: 0>} : vector<2048x64xi32>
    %jit3A = arith.constant 128 : i32
    %eq3A = arith.constant 0 : i32
    %eq3A_1 = arith.cmpi eq, %jit3A, %eq3A : i32
    %jit3A_2 = arith.constant 1 : i32
    %select_n3A = arith.select %eq3A_1, %jit3A_2, %jit3A : i32
    %rem3A = vector.broadcast %select_n3A : i32 to vector<2048x64xi32>
    %rem3A_3 = arith.remsi %iota3A, %rem3A : vector<2048x64xi32>
    %ne3A = arith.constant 0 : i32
    %ne3A_4 = vector.broadcast %ne3A : i32 to vector<2048x64xi32>
    %ne3A_5 = arith.cmpi ne, %rem3A_3, %ne3A_4 : vector<2048x64xi32>
    %lt3A = arith.constant 0 : i32
    %lt3A_6 = vector.broadcast %lt3A : i32 to vector<2048x64xi32>
    %lt3A_7 = arith.cmpi slt, %rem3A_3, %lt3A_6 : vector<2048x64xi32>
    %lt3A_8 = arith.constant 0 : i32
    %lt3A_9 = arith.cmpi slt, %select_n3A, %lt3A_8 : i32
    %ne3A_10 = vector.broadcast %lt3A_9 : i1 to vector<2048x64xi1>
    %ne3A_11 = vector.broadcast %ne3A_10 : vector<2048x64xi1> to vector<2048x64xi1>
    %ne3A_12 = arith.xori %lt3A_7, %ne3A_11 : vector<2048x64xi1>
    %and3A = arith.andi %ne3A_12, %ne3A_5 : vector<2048x64xi1>
    %add3A = vector.broadcast %select_n3A : i32 to vector<2048x64xi32>
    %add3A_13 = arith.addi %rem3A_3, %add3A : vector<2048x64xi32>
    %select_n3A_14 = arith.select %and3A, %add3A_13, %rem3A_3 : vector<2048x64xi1>, vector<2048x64xi32>
    %ne3A_15 = arith.constant 127 : i32
    %ne3A_16 = vector.broadcast %ne3A_15 : i32 to vector<2048x64xi32>
    %ne3A_17 = arith.cmpi ne, %select_n3A_14, %ne3A_16 : vector<2048x64xi32>
    %broadcast_in_dim3A = arith.constant 0.000000e+00 : f32
    %broadcast_in_dim3A_18 = vector.broadcast %broadcast_in_dim3A : f32 to vector<2048x64xf32>
    %add3A_19 = arith.constant 0 : i32
    %add3A_20 = arith.addi %mul3A_0, %add3A_19 : i32
    %get3A = arith.index_cast %add3A_20 : i32 to index
    %get3A_21 = arith.constant 0 : index
    %get3A_22 = vector.load %arg1[%get3A, %get3A_21] : memref<16520x64xf32, #tpu.memory_space<vmem>>, vector<2048x64xf32>
    %get3A_23 = arith.constant 0 : index
    %get3A_24 = arith.constant 0 : index
    %get3A_25 = vector.load %arg5[%get3A_23, %get3A_24] : memref<576x64xf32, #tpu.memory_space<vmem>>, vector<64x64xf32>
    %dot_general3A = arith.constant dense<0.000000e+00> : vector<2048x64xf32>
    %dot_general3A_26 = tpu.matmul %get3A_22, %get3A_25, %dot_general3A {dimension_numbers = #tpu.dot_dimension_numbers<[1], [0], [0], [1], [0, 0, 1, 1], [], []>, transpose_lhs_hint = false} : vector<2048x64xf32>, vector<64x64xf32>, vector<2048x64xf32> -> vector<2048x64xf32>
    %add3A_27 = arith.addf %broadcast_in_dim3A_18, %dot_general3A_26 : vector<2048x64xf32>
    %add3A_28 = arith.constant 0 : i32
    %add3A_29 = arith.addi %mul3A_0, %add3A_28 : i32
    %get3A_30 = arith.index_cast %add3A_29 : i32 to index
    %get3A_31 = arith.constant 0 : index
    %get3A_32 = vector.load %arg2[%get3A_30, %get3A_31] : memref<16520x64xf32, #tpu.memory_space<vmem>>, vector<2048x64xf32>
    %get3A_33 = arith.constant 64 : index
    %get3A_34 = arith.constant 0 : index
    %get3A_35 = vector.load %arg5[%get3A_33, %get3A_34] : memref<576x64xf32, #tpu.memory_space<vmem>>, vector<64x64xf32>
    %dot_general3A_36 = arith.constant dense<0.000000e+00> : vector<2048x64xf32>
    %dot_general3A_37 = tpu.matmul %get3A_32, %get3A_35, %dot_general3A_36 {dimension_numbers = #tpu.dot_dimension_numbers<[1], [0], [0], [1], [0, 0, 1, 1], [], []>, transpose_lhs_hint = false} : vector<2048x64xf32>, vector<64x64xf32>, vector<2048x64xf32> -> vector<2048x64xf32>
    %add3A_38 = arith.addf %add3A_27, %dot_general3A_37 : vector<2048x64xf32>
    %add3A_39 = arith.constant 1 : i32
    %add3A_40 = arith.addi %mul3A_0, %add3A_39 : i32
    %get3A_41 = arith.index_cast %add3A_40 : i32 to index
    %get3A_42 = arith.constant 0 : index
    %get3A_43 = vector.load %arg1[%get3A_41, %get3A_42] : memref<16520x64xf32, #tpu.memory_space<vmem>>, vector<2048x64xf32>
    %jit3A_44 = arith.constant 0.000000e+00 : f32
    %broadcast_in_dim3A_45 = vector.broadcast %jit3A_44 : f32 to vector<2048x64xf32>
    %select_n3A_46 = arith.select %ne3A_17, %get3A_43, %broadcast_in_dim3A_45 : vector<2048x64xi1>, vector<2048x64xf32>
    %get3A_47 = arith.constant 128 : index
    %get3A_48 = arith.constant 0 : index
    %get3A_49 = vector.load %arg5[%get3A_47, %get3A_48] : memref<576x64xf32, #tpu.memory_space<vmem>>, vector<64x64xf32>
    %dot_general3A_50 = arith.constant dense<0.000000e+00> : vector<2048x64xf32>
    %dot_general3A_51 = tpu.matmul %select_n3A_46, %get3A_49, %dot_general3A_50 {dimension_numbers = #tpu.dot_dimension_numbers<[1], [0], [0], [1], [0, 0, 1, 1], [], []>, transpose_lhs_hint = false} : vector<2048x64xf32>, vector<64x64xf32>, vector<2048x64xf32> -> vector<2048x64xf32>
    %add3A_52 = arith.addf %add3A_38, %dot_general3A_51 : vector<2048x64xf32>
    %add3A_53 = arith.constant 0 : i32
    %add3A_54 = arith.addi %mul3A_0, %add3A_53 : i32
    %get3A_55 = arith.index_cast %add3A_54 : i32 to index
    %get3A_56 = arith.constant 0 : index
    %get3A_57 = vector.load %arg3[%get3A_55, %get3A_56] : memref<16520x64xf32, #tpu.memory_space<vmem>>, vector<2048x64xf32>
    %get3A_58 = arith.constant 192 : index
    %get3A_59 = arith.constant 0 : index
    %get3A_60 = vector.load %arg5[%get3A_58, %get3A_59] : memref<576x64xf32, #tpu.memory_space<vmem>>, vector<64x64xf32>
    %dot_general3A_61 = arith.constant dense<0.000000e+00> : vector<2048x64xf32>
    %dot_general3A_62 = tpu.matmul %get3A_57, %get3A_60, %dot_general3A_61 {dimension_numbers = #tpu.dot_dimension_numbers<[1], [0], [0], [1], [0, 0, 1, 1], [], []>, transpose_lhs_hint = false} : vector<2048x64xf32>, vector<64x64xf32>, vector<2048x64xf32> -> vector<2048x64xf32>
    %add3A_63 = arith.addf %add3A_52, %dot_general3A_62 : vector<2048x64xf32>
    %add3A_64 = arith.constant 0 : i32
    %add3A_65 = arith.addi %mul3A_0, %add3A_64 : i32
    %get3A_66 = arith.index_cast %add3A_65 : i32 to index
    %get3A_67 = arith.constant 0 : index
    %get3A_68 = vector.load %arg4[%get3A_66, %get3A_67] : memref<16520x64xf32, #tpu.memory_space<vmem>>, vector<2048x64xf32>
    %get3A_69 = arith.constant 256 : index
    %get3A_70 = arith.constant 0 : index
    %get3A_71 = vector.load %arg5[%get3A_69, %get3A_70] : memref<576x64xf32, #tpu.memory_space<vmem>>, vector<64x64xf32>
    %dot_general3A_72 = arith.constant dense<0.000000e+00> : vector<2048x64xf32>
    %dot_general3A_73 = tpu.matmul %get3A_68, %get3A_71, %dot_general3A_72 {dimension_numbers = #tpu.dot_dimension_numbers<[1], [0], [0], [1], [0, 0, 1, 1], [], []>, transpose_lhs_hint = false} : vector<2048x64xf32>, vector<64x64xf32>, vector<2048x64xf32> -> vector<2048x64xf32>
    %add3A_74 = arith.addf %add3A_63, %dot_general3A_73 : vector<2048x64xf32>
    %add3A_75 = arith.constant 1 : i32
    %add3A_76 = arith.addi %mul3A_0, %add3A_75 : i32
    %get3A_77 = arith.index_cast %add3A_76 : i32 to index
    %get3A_78 = arith.constant 0 : index
    %get3A_79 = vector.load %arg3[%get3A_77, %get3A_78] : memref<16520x64xf32, #tpu.memory_space<vmem>>, vector<2048x64xf32>
    %jit3A_80 = arith.constant 0.000000e+00 : f32
    %broadcast_in_dim3A_81 = vector.broadcast %jit3A_80 : f32 to vector<2048x64xf32>
    %select_n3A_82 = arith.select %ne3A_17, %get3A_79, %broadcast_in_dim3A_81 : vector<2048x64xi1>, vector<2048x64xf32>
    %get3A_83 = arith.constant 320 : index
    %get3A_84 = arith.constant 0 : index
    %get3A_85 = vector.load %arg5[%get3A_83, %get3A_84] : memref<576x64xf32, #tpu.memory_space<vmem>>, vector<64x64xf32>
    %dot_general3A_86 = arith.constant dense<0.000000e+00> : vector<2048x64xf32>
    %dot_general3A_87 = tpu.matmul %select_n3A_82, %get3A_85, %dot_general3A_86 {dimension_numbers = #tpu.dot_dimension_numbers<[1], [0], [0], [1], [0, 0, 1, 1], [], []>, transpose_lhs_hint = false} : vector<2048x64xf32>, vector<64x64xf32>, vector<2048x64xf32> -> vector<2048x64xf32>
    %add3A_88 = arith.addf %add3A_74, %dot_general3A_87 : vector<2048x64xf32>
    %add3A_89 = arith.constant 128 : i32
    %add3A_90 = arith.addi %mul3A_0, %add3A_89 : i32
    %get3A_91 = arith.index_cast %add3A_90 : i32 to index
    %get3A_92 = arith.constant 0 : index
    %get3A_93 = vector.load %arg1[%get3A_91, %get3A_92] : memref<16520x64xf32, #tpu.memory_space<vmem>>, vector<2048x64xf32>
    %get3A_94 = arith.constant 384 : index
    %get3A_95 = arith.constant 0 : index
    %get3A_96 = vector.load %arg5[%get3A_94, %get3A_95] : memref<576x64xf32, #tpu.memory_space<vmem>>, vector<64x64xf32>
    %dot_general3A_97 = arith.constant dense<0.000000e+00> : vector<2048x64xf32>
    %dot_general3A_98 = tpu.matmul %get3A_93, %get3A_96, %dot_general3A_97 {dimension_numbers = #tpu.dot_dimension_numbers<[1], [0], [0], [1], [0, 0, 1, 1], [], []>, transpose_lhs_hint = false} : vector<2048x64xf32>, vector<64x64xf32>, vector<2048x64xf32> -> vector<2048x64xf32>
    %add3A_99 = arith.addf %add3A_88, %dot_general3A_98 : vector<2048x64xf32>
    %add3A_100 = arith.constant 128 : i32
    %add3A_101 = arith.addi %mul3A_0, %add3A_100 : i32
    %get3A_102 = arith.index_cast %add3A_101 : i32 to index
    %get3A_103 = arith.constant 0 : index
    %get3A_104 = vector.load %arg2[%get3A_102, %get3A_103] : memref<16520x64xf32, #tpu.memory_space<vmem>>, vector<2048x64xf32>
    %get3A_105 = arith.constant 448 : index
    %get3A_106 = arith.constant 0 : index
    %get3A_107 = vector.load %arg5[%get3A_105, %get3A_106] : memref<576x64xf32, #tpu.memory_space<vmem>>, vector<64x64xf32>
    %dot_general3A_108 = arith.constant dense<0.000000e+00> : vector<2048x64xf32>
    %dot_general3A_109 = tpu.matmul %get3A_104, %get3A_107, %dot_general3A_108 {dimension_numbers = #tpu.dot_dimension_numbers<[1], [0], [0], [1], [0, 0, 1, 1], [], []>, transpose_lhs_hint = false} : vector<2048x64xf32>, vector<64x64xf32>, vector<2048x64xf32> -> vector<2048x64xf32>
    %add3A_110 = arith.addf %add3A_99, %dot_general3A_109 : vector<2048x64xf32>
    %add3A_111 = arith.constant 129 : i32
    %add3A_112 = arith.addi %mul3A_0, %add3A_111 : i32
    %get3A_113 = arith.index_cast %add3A_112 : i32 to index
    %get3A_114 = arith.constant 0 : index
    %get3A_115 = vector.load %arg1[%get3A_113, %get3A_114] : memref<16520x64xf32, #tpu.memory_space<vmem>>, vector<2048x64xf32>
    %jit3A_116 = arith.constant 0.000000e+00 : f32
    %broadcast_in_dim3A_117 = vector.broadcast %jit3A_116 : f32 to vector<2048x64xf32>
    %select_n3A_118 = arith.select %ne3A_17, %get3A_115, %broadcast_in_dim3A_117 : vector<2048x64xi1>, vector<2048x64xf32>
    %get3A_119 = arith.constant 512 : index
    %get3A_120 = arith.constant 0 : index
    %get3A_121 = vector.load %arg5[%get3A_119, %get3A_120] : memref<576x64xf32, #tpu.memory_space<vmem>>, vector<64x64xf32>
    %dot_general3A_122 = arith.constant dense<0.000000e+00> : vector<2048x64xf32>
    %dot_general3A_123 = tpu.matmul %select_n3A_118, %get3A_121, %dot_general3A_122 {dimension_numbers = #tpu.dot_dimension_numbers<[1], [0], [0], [1], [0, 0, 1, 1], [], []>, transpose_lhs_hint = false} : vector<2048x64xf32>, vector<64x64xf32>, vector<2048x64xf32> -> vector<2048x64xf32>
    %add3A_124 = arith.addf %add3A_110, %dot_general3A_123 : vector<2048x64xf32>
    %max3A = arith.constant 0.000000e+00 : f32
    %max3A_125 = vector.broadcast %max3A : f32 to vector<2048x64xf32>
    %max3A_126 = arith.maximumf %add3A_124, %max3A_125 : vector<2048x64xf32>
    %get3A_127 = arith.constant 0 : index
    %get3A_128 = arith.constant 0 : index
    %get3A_129 = vector.load %arg6[%get3A_127, %get3A_128] : memref<64x128xf32, #tpu.memory_space<vmem>>, vector<64x128xf32>
    %dot_general3A_130 = arith.constant dense<0.000000e+00> : vector<2048x128xf32>
    %dot_general3A_131 = tpu.matmul %max3A_126, %get3A_129, %dot_general3A_130 {dimension_numbers = #tpu.dot_dimension_numbers<[1], [0], [0], [1], [0, 0, 1, 1], [], []>, transpose_lhs_hint = false} : vector<2048x64xf32>, vector<64x128xf32>, vector<2048x128xf32> -> vector<2048x128xf32>
    %iota3A_132 = tpu.iota {dimensions = array<i32: 0>} : vector<2048x1xi32>
    %add3A_133 = vector.broadcast %mul3A_0 : i32 to vector<2048x1xi32>
    %add3A_134 = arith.addi %add3A_133, %iota3A_132 : vector<2048x1xi32>
    %slice3A = vector.extract_strided_slice %dot_general3A_131 {offsets = [0, 0], sizes = [2048, 1], strides = [1, 1]} : vector<2048x128xf32> to vector<2048x1xf32>
    %neg3A = arith.constant 0.000000e+00 : f32
    %neg3A_135 = vector.broadcast %neg3A : f32 to vector<2048x1xf32>
    %neg3A_136 = arith.subf %neg3A_135, %slice3A : vector<2048x1xf32>
    %exp3A = math.exp %neg3A_136 : vector<2048x1xf32>
    %add3A_137 = arith.constant 1.000000e+00 : f32
    %add3A_138 = vector.broadcast %add3A_137 : f32 to vector<2048x1xf32>
    %add3A_139 = arith.addf %add3A_138, %exp3A : vector<2048x1xf32>
    %div3A = arith.constant 1.000000e+00 : f32
    %div3A_140 = vector.broadcast %div3A : f32 to vector<2048x1xf32>
    %div3A_141 = arith.divf %div3A_140, %add3A_139 : vector<2048x1xf32>
    %slice3A_142 = vector.extract_strided_slice %dot_general3A_131 {offsets = [0, 1], sizes = [2048, 1], strides = [1, 1]} : vector<2048x128xf32> to vector<2048x1xf32>
    %jit3A_143 = arith.constant 128 : i32
    %div3A_144 = vector.broadcast %jit3A_143 : i32 to vector<2048x1xi32>
    %div3A_145 = arith.divsi %add3A_134, %div3A_144 : vector<2048x1xi32>
    %sign3A = arith.constant 0 : i32
    %sign3A_146 = vector.broadcast %sign3A : i32 to vector<2048x1xi32>
    %sign3A_147 = arith.cmpi sgt, %add3A_134, %sign3A_146 : vector<2048x1xi32>
    %sign3A_148 = arith.extui %sign3A_147 : vector<2048x1xi1> to vector<2048x1xi32>
    %sign3A_149 = arith.constant 0 : i32
    %sign3A_150 = vector.broadcast %sign3A_149 : i32 to vector<2048x1xi32>
    %sign3A_151 = arith.cmpi slt, %add3A_134, %sign3A_150 : vector<2048x1xi32>
    %sign3A_152 = arith.extui %sign3A_151 : vector<2048x1xi1> to vector<2048x1xi32>
    %sign3A_153 = arith.subi %sign3A_148, %sign3A_152 : vector<2048x1xi32>
    %sign3A_154 = arith.constant 0 : i32
    %sign3A_155 = arith.cmpi sgt, %jit3A_143, %sign3A_154 : i32
    %sign3A_156 = arith.extui %sign3A_155 : i1 to i32
    %sign3A_157 = arith.constant 0 : i32
    %sign3A_158 = arith.cmpi slt, %jit3A_143, %sign3A_157 : i32
    %sign3A_159 = arith.extui %sign3A_158 : i1 to i32
    %sign3A_160 = arith.subi %sign3A_156, %sign3A_159 : i32
    %ne3A_161 = vector.broadcast %sign3A_160 : i32 to vector<2048x1xi32>
    %ne3A_162 = arith.cmpi ne, %sign3A_153, %ne3A_161 : vector<2048x1xi32>
    %rem3A_163 = vector.broadcast %jit3A_143 : i32 to vector<2048x1xi32>
    %rem3A_164 = arith.remsi %add3A_134, %rem3A_163 : vector<2048x1xi32>
    %ne3A_165 = arith.constant 0 : i32
    %ne3A_166 = vector.broadcast %ne3A_165 : i32 to vector<2048x1xi32>
    %ne3A_167 = arith.cmpi ne, %rem3A_164, %ne3A_166 : vector<2048x1xi32>
    %and3A_168 = arith.andi %ne3A_162, %ne3A_167 : vector<2048x1xi1>
    %sub3A = arith.constant 1 : i32
    %sub3A_169 = vector.broadcast %sub3A : i32 to vector<2048x1xi32>
    %sub3A_170 = arith.subi %div3A_145, %sub3A_169 : vector<2048x1xi32>
    %select_n3A_171 = arith.select %and3A_168, %sub3A_170, %div3A_145 : vector<2048x1xi1>, vector<2048x1xi32>
    %convert_element_type3A = arith.sitofp %select_n3A_171 : vector<2048x1xi32> to vector<2048x1xf32>
    %add3A_172 = arith.constant 5.000000e-01 : f32
    %add3A_173 = vector.broadcast %add3A_172 : f32 to vector<2048x1xf32>
    %add3A_174 = arith.addf %convert_element_type3A, %add3A_173 : vector<2048x1xf32>
    %add3A_175 = arith.addf %slice3A_142, %add3A_174 : vector<2048x1xf32>
    %slice3A_176 = vector.extract_strided_slice %dot_general3A_131 {offsets = [0, 2], sizes = [2048, 1], strides = [1, 1]} : vector<2048x128xf32> to vector<2048x1xf32>
    %jit3A_177 = arith.constant 128 : i32
    %eq3A_178 = arith.constant 0 : i32
    %eq3A_179 = arith.cmpi eq, %jit3A_177, %eq3A_178 : i32
    %jit3A_180 = arith.constant 1 : i32
    %select_n3A_181 = arith.select %eq3A_179, %jit3A_180, %jit3A_177 : i32
    %rem3A_182 = vector.broadcast %select_n3A_181 : i32 to vector<2048x1xi32>
    %rem3A_183 = arith.remsi %add3A_134, %rem3A_182 : vector<2048x1xi32>
    %ne3A_184 = arith.constant 0 : i32
    %ne3A_185 = vector.broadcast %ne3A_184 : i32 to vector<2048x1xi32>
    %ne3A_186 = arith.cmpi ne, %rem3A_183, %ne3A_185 : vector<2048x1xi32>
    %lt3A_187 = arith.constant 0 : i32
    %lt3A_188 = vector.broadcast %lt3A_187 : i32 to vector<2048x1xi32>
    %lt3A_189 = arith.cmpi slt, %rem3A_183, %lt3A_188 : vector<2048x1xi32>
    %lt3A_190 = arith.constant 0 : i32
    %lt3A_191 = arith.cmpi slt, %select_n3A_181, %lt3A_190 : i32
    %ne3A_192 = vector.broadcast %lt3A_191 : i1 to vector<2048x1xi1>
    %ne3A_193 = vector.broadcast %ne3A_192 : vector<2048x1xi1> to vector<2048x1xi1>
    %ne3A_194 = arith.xori %lt3A_189, %ne3A_193 : vector<2048x1xi1>
    %and3A_195 = arith.andi %ne3A_194, %ne3A_186 : vector<2048x1xi1>
    %add3A_196 = vector.broadcast %select_n3A_181 : i32 to vector<2048x1xi32>
    %add3A_197 = arith.addi %rem3A_183, %add3A_196 : vector<2048x1xi32>
    %select_n3A_198 = arith.select %and3A_195, %add3A_197, %rem3A_183 : vector<2048x1xi1>, vector<2048x1xi32>
    %convert_element_type3A_199 = arith.sitofp %select_n3A_198 : vector<2048x1xi32> to vector<2048x1xf32>
    %add3A_200 = arith.constant 5.000000e-01 : f32
    %add3A_201 = vector.broadcast %add3A_200 : f32 to vector<2048x1xf32>
    %add3A_202 = arith.addf %convert_element_type3A_199, %add3A_201 : vector<2048x1xf32>
    %add3A_203 = arith.addf %slice3A_176, %add3A_202 : vector<2048x1xf32>
    %iota3A_204 = tpu.iota {dimensions = array<i32: 0>} : vector<2048x128xi32>
    %iota3A_205 = tpu.iota {dimensions = array<i32: 1>} : vector<2048x128xi32>
    %jit3A_206 = arith.constant 128 : i32
    %eq3A_207 = arith.constant 0 : i32
    %eq3A_208 = arith.cmpi eq, %jit3A_206, %eq3A_207 : i32
    %jit3A_209 = arith.constant 1 : i32
    %select_n3A_210 = arith.select %eq3A_208, %jit3A_209, %jit3A_206 : i32
    %rem3A_211 = vector.broadcast %select_n3A_210 : i32 to vector<2048x128xi32>
    %rem3A_212 = arith.remsi %iota3A_204, %rem3A_211 : vector<2048x128xi32>
    %ne3A_213 = arith.constant 0 : i32
    %ne3A_214 = vector.broadcast %ne3A_213 : i32 to vector<2048x128xi32>
    %ne3A_215 = arith.cmpi ne, %rem3A_212, %ne3A_214 : vector<2048x128xi32>
    %lt3A_216 = arith.constant 0 : i32
    %lt3A_217 = vector.broadcast %lt3A_216 : i32 to vector<2048x128xi32>
    %lt3A_218 = arith.cmpi slt, %rem3A_212, %lt3A_217 : vector<2048x128xi32>
    %lt3A_219 = arith.constant 0 : i32
    %lt3A_220 = arith.cmpi slt, %select_n3A_210, %lt3A_219 : i32
    %ne3A_221 = vector.broadcast %lt3A_220 : i1 to vector<2048x128xi1>
    %ne3A_222 = vector.broadcast %ne3A_221 : vector<2048x128xi1> to vector<2048x128xi1>
    %ne3A_223 = arith.xori %lt3A_218, %ne3A_222 : vector<2048x128xi1>
    %and3A_224 = arith.andi %ne3A_223, %ne3A_215 : vector<2048x128xi1>
    %add3A_225 = vector.broadcast %select_n3A_210 : i32 to vector<2048x128xi32>
    %add3A_226 = arith.addi %rem3A_212, %add3A_225 : vector<2048x128xi32>
    %select_n3A_227 = arith.select %and3A_224, %add3A_226, %rem3A_212 : vector<2048x128xi1>, vector<2048x128xi32>
    %eq3A_228 = arith.cmpi eq, %select_n3A_227, %iota3A_205 : vector<2048x128xi32>
    %iota3A_229 = tpu.iota {dimensions = array<i32: 1>} : vector<16x2048xi32>
    %jit3A_230 = arith.constant 128 : i32
    %div3A_231 = vector.broadcast %jit3A_230 : i32 to vector<16x2048xi32>
    %div3A_232 = arith.divsi %iota3A_229, %div3A_231 : vector<16x2048xi32>
    %sign3A_233 = arith.constant 0 : i32
    %sign3A_234 = vector.broadcast %sign3A_233 : i32 to vector<16x2048xi32>
    %sign3A_235 = arith.cmpi sgt, %iota3A_229, %sign3A_234 : vector<16x2048xi32>
    %sign3A_236 = arith.extui %sign3A_235 : vector<16x2048xi1> to vector<16x2048xi32>
    %sign3A_237 = arith.constant 0 : i32
    %sign3A_238 = vector.broadcast %sign3A_237 : i32 to vector<16x2048xi32>
    %sign3A_239 = arith.cmpi slt, %iota3A_229, %sign3A_238 : vector<16x2048xi32>
    %sign3A_240 = arith.extui %sign3A_239 : vector<16x2048xi1> to vector<16x2048xi32>
    %sign3A_241 = arith.subi %sign3A_236, %sign3A_240 : vector<16x2048xi32>
    %sign3A_242 = arith.constant 0 : i32
    %sign3A_243 = arith.cmpi sgt, %jit3A_230, %sign3A_242 : i32
    %sign3A_244 = arith.extui %sign3A_243 : i1 to i32
    %sign3A_245 = arith.constant 0 : i32
    %sign3A_246 = arith.cmpi slt, %jit3A_230, %sign3A_245 : i32
    %sign3A_247 = arith.extui %sign3A_246 : i1 to i32
    %sign3A_248 = arith.subi %sign3A_244, %sign3A_247 : i32
    %ne3A_249 = vector.broadcast %sign3A_248 : i32 to vector<16x2048xi32>
    %ne3A_250 = arith.cmpi ne, %sign3A_241, %ne3A_249 : vector<16x2048xi32>
    %rem3A_251 = vector.broadcast %jit3A_230 : i32 to vector<16x2048xi32>
    %rem3A_252 = arith.remsi %iota3A_229, %rem3A_251 : vector<16x2048xi32>
    %ne3A_253 = arith.constant 0 : i32
    %ne3A_254 = vector.broadcast %ne3A_253 : i32 to vector<16x2048xi32>
    %ne3A_255 = arith.cmpi ne, %rem3A_252, %ne3A_254 : vector<16x2048xi32>
    %and3A_256 = arith.andi %ne3A_250, %ne3A_255 : vector<16x2048xi1>
    %sub3A_257 = arith.constant 1 : i32
    %sub3A_258 = vector.broadcast %sub3A_257 : i32 to vector<16x2048xi32>
    %sub3A_259 = arith.subi %div3A_232, %sub3A_258 : vector<16x2048xi32>
    %select_n3A_260 = arith.select %and3A_256, %sub3A_259, %div3A_232 : vector<16x2048xi1>, vector<16x2048xi32>
    %iota3A_261 = tpu.iota {dimensions = array<i32: 0>} : vector<16x2048xi32>
    %eq3A_262 = arith.cmpi eq, %select_n3A_260, %iota3A_261 : vector<16x2048xi32>
    %convert_element_type3A_263 = arith.extui %eq3A_262 : vector<16x2048xi1> to vector<16x2048xi32>
    %convert_element_type3A_264 = arith.sitofp %convert_element_type3A_263 : vector<16x2048xi32> to vector<16x2048xf32>
    %jit3A_265 = arith.constant 0.000000e+00 : f32
    %broadcast_in_dim3A_266 = vector.shape_cast %div3A_141 : vector<2048x1xf32> to vector<2048x1xf32>
    %broadcast_in_dim3A_267 = vector.broadcast %broadcast_in_dim3A_266 : vector<2048x1xf32> to vector<2048x128xf32>
    %broadcast_in_dim3A_268 = vector.broadcast %jit3A_265 : f32 to vector<2048x128xf32>
    %select_n3A_269 = arith.select %eq3A_228, %broadcast_in_dim3A_267, %broadcast_in_dim3A_268 : vector<2048x128xi1>, vector<2048x128xf32>
    %dot_general3A_270 = arith.constant dense<0.000000e+00> : vector<16x128xf32>
    %dot_general3A_271 = tpu.matmul %convert_element_type3A_264, %select_n3A_269, %dot_general3A_270 {dimension_numbers = #tpu.dot_dimension_numbers<[1], [0], [0], [1], [0, 0, 1, 1], [], []>, precision = #tpu.contract_precision<fp32>, transpose_lhs_hint = false} : vector<16x2048xf32>, vector<2048x128xf32>, vector<16x128xf32> -> vector<16x128xf32>
    %swap3A = arith.constant 0 : index
    %swap3A_272 = arith.constant 0 : index
    %swap3A_273 = vector.load %arg7[%swap3A, %swap3A_272] : memref<16x128xf32, #tpu.memory_space<vmem>>, vector<16x128xf32>
    tpu.vector_store %arg7[%swap3A, %swap3A_272], %dot_general3A_271 {strides = array<i32>} : memref<16x128xf32, #tpu.memory_space<vmem>>, vector<16x128xf32>,
    %jit3A_274 = arith.constant 0.000000e+00 : f32
    %broadcast_in_dim3A_275 = vector.shape_cast %add3A_175 : vector<2048x1xf32> to vector<2048x1xf32>
    %broadcast_in_dim3A_276 = vector.broadcast %broadcast_in_dim3A_275 : vector<2048x1xf32> to vector<2048x128xf32>
    %broadcast_in_dim3A_277 = vector.broadcast %jit3A_274 : f32 to vector<2048x128xf32>
    %select_n3A_278 = arith.select %eq3A_228, %broadcast_in_dim3A_276, %broadcast_in_dim3A_277 : vector<2048x128xi1>, vector<2048x128xf32>
    %dot_general3A_279 = arith.constant dense<0.000000e+00> : vector<16x128xf32>
    %dot_general3A_280 = tpu.matmul %convert_element_type3A_264, %select_n3A_278, %dot_general3A_279 {dimension_numbers = #tpu.dot_dimension_numbers<[1], [0], [0], [1], [0, 0, 1, 1], [], []>, precision = #tpu.contract_precision<fp32>, transpose_lhs_hint = false} : vector<16x2048xf32>, vector<2048x128xf32>, vector<16x128xf32> -> vector<16x128xf32>
    %swap3A_281 = arith.constant 0 : index
    %swap3A_282 = arith.constant 0 : index
    %swap3A_283 = vector.load %arg8[%swap3A_281, %swap3A_282] : memref<16x128xf32, #tpu.memory_space<vmem>>, vector<16x128xf32>
    tpu.vector_store %arg8[%swap3A_281, %swap3A_282], %dot_general3A_280 {strides = array<i32>} : memref<16x128xf32, #tpu.memory_space<vmem>>, vector<16x128xf32>,
    %jit3A_284 = arith.constant 0.000000e+00 : f32
    %broadcast_in_dim3A_285 = vector.shape_cast %add3A_203 : vector<2048x1xf32> to vector<2048x1xf32>
    %broadcast_in_dim3A_286 = vector.broadcast %broadcast_in_dim3A_285 : vector<2048x1xf32> to vector<2048x128xf32>
    %broadcast_in_dim3A_287 = vector.broadcast %jit3A_284 : f32 to vector<2048x128xf32>
    %select_n3A_288 = arith.select %eq3A_228, %broadcast_in_dim3A_286, %broadcast_in_dim3A_287 : vector<2048x128xi1>, vector<2048x128xf32>
    %dot_general3A_289 = arith.constant dense<0.000000e+00> : vector<16x128xf32>
    %dot_general3A_290 = tpu.matmul %convert_element_type3A_264, %select_n3A_288, %dot_general3A_289 {dimension_numbers = #tpu.dot_dimension_numbers<[1], [0], [0], [1], [0, 0, 1, 1], [], []>, precision = #tpu.contract_precision<fp32>, transpose_lhs_hint = false} : vector<16x2048xf32>, vector<2048x128xf32>, vector<16x128xf32> -> vector<16x128xf32>
    %swap3A_291 = arith.constant 0 : index
    %swap3A_292 = arith.constant 0 : index
    %swap3A_293 = vector.load %arg9[%swap3A_291, %swap3A_292] : memref<16x128xf32, #tpu.memory_space<vmem>>, vector<16x128xf32>
    tpu.vector_store %arg9[%swap3A_291, %swap3A_292], %dot_general3A_290 {strides = array<i32>} : memref<16x128xf32, #tpu.memory_space<vmem>>, vector<16x128xf32>,
    return
  }
  func.func @transform_0(%arg0: i32) -> (i32, i32) {
    %c0_i32 = arith.constant 0 : i32
    %c0_i32_0 = arith.constant 0 : i32
    %c0_i32_1 = arith.constant 0 : i32
    return %c0_i32, %c0_i32_0 : i32, i32
  }
  func.func @transform_1(%arg0: i32) -> (i32, i32) {
    %c0_i32 = arith.constant 0 : i32
    %c0_i32_0 = arith.constant 0 : i32
    %c0_i32_1 = arith.constant 0 : i32
    return %c0_i32, %c0_i32_0 : i32, i32
  }
  func.func @transform_2(%arg0: i32) -> (i32, i32) {
    %c0_i32 = arith.constant 0 : i32
    %c0_i32_0 = arith.constant 0 : i32
    %c0_i32_1 = arith.constant 0 : i32
    return %c0_i32, %c0_i32_0 : i32, i32
  }
  func.func @transform_3(%arg0: i32) -> (i32, i32) {
    %c0_i32 = arith.constant 0 : i32
    %c0_i32_0 = arith.constant 0 : i32
    %c0_i32_1 = arith.constant 0 : i32
    return %c0_i32, %c0_i32_0 : i32, i32
  }
  func.func @transform_4(%arg0: i32) -> (i32, i32) {
    %c0_i32 = arith.constant 0 : i32
    %c0_i32_0 = arith.constant 0 : i32
    %c0_i32_1 = arith.constant 0 : i32
    return %c0_i32, %c0_i32_0 : i32, i32
  }
  func.func @transform_5(%arg0: i32) -> (i32, i32) {
    %c0_i32 = arith.constant 0 : i32
    %c0_i32_0 = arith.constant 0 : i32
    %c0_i32_1 = arith.constant 0 : i32
    return %c0_i32, %c0_i32_0 : i32, i32
  }
  func.func @transform_6(%arg0: i32) -> (i32, i32) {
    %c0_i32 = arith.constant 0 : i32
    %c0_i32_0 = arith.constant 0 : i32
    return %arg0, %c0_i32 : i32, i32
  }
  func.func @transform_7(%arg0: i32) -> (i32, i32) {
    %c0_i32 = arith.constant 0 : i32
    %c0_i32_0 = arith.constant 0 : i32
    return %arg0, %c0_i32 : i32, i32
  }
  func.func @transform_8(%arg0: i32) -> (i32, i32) {
    %c0_i32 = arith.constant 0 : i32
    %c0_i32_0 = arith.constant 0 : i32
    return %arg0, %c0_i32 : i32, i32
  }
}

module attributes {stable_mosaic.version = 14 : i64} {
  func.func @_nms_kernel(%arg0: memref<128x128xf32, #tpu.memory_space<vmem>>, %arg1: memref<128x128xf32, #tpu.memory_space<vmem>>, %arg2: memref<128x128xf32, #tpu.memory_space<vmem>>, %arg3: memref<512x128xf32, #tpu.memory_space<vmem>>, %arg4: memref<128x128xf32, #tpu.memory_space<vmem>>) attributes {dimension_semantics = [], scalar_prefetch = 0 : i64, scratch_operands = 1 : i64, tpu.core_type = #tpu.core_type<tc>} {
    %get3A = arith.constant 0 : index
    %get3A_0 = arith.constant 0 : index
    %get3A_1 = vector.load %arg0[%get3A, %get3A_0] : memref<128x128xf32, #tpu.memory_space<vmem>>, vector<128x128xf32>
    %get3A_2 = arith.constant 0 : index
    %get3A_3 = arith.constant 0 : index
    %get3A_4 = vector.load %arg1[%get3A_2, %get3A_3] : memref<128x128xf32, #tpu.memory_space<vmem>>, vector<128x128xf32>
    %get3A_5 = arith.constant 0 : index
    %get3A_6 = arith.constant 0 : index
    %get3A_7 = vector.load %arg2[%get3A_5, %get3A_6] : memref<128x128xf32, #tpu.memory_space<vmem>>, vector<128x128xf32>
    %bitcast_convert_type3A = tpu.bitcast %get3A_1 : vector<128x128xf32> -> vector<128x128xi32>
    %scan3A = arith.constant 0 : i32
    %scan3A_8 = arith.constant 1065353217 : i32
    %scan3A_9 = arith.constant 0 : i32
    %scan3A_10 = arith.constant 31 : i32
    %scan3A_11 = arith.addi %scan3A_9, %scan3A_10 : i32
    %scan3A_12 = arith.constant 1 : i32
    %scan3A_13:2 = scf.for %scan3A_53 = %scan3A_9 to %scan3A_11 step %scan3A_12 iter_args(%scan3A_54 = %scan3A, %scan3A_55 = %scan3A_8) -> (i32, i32)  : i32 {
      %add3A_56 = arith.addi %scan3A_54, %scan3A_55 : i32
      %jit3A_57 = arith.constant 2 : i32
      %div3A = arith.divsi %add3A_56, %jit3A_57 : i32
      %sign3A = arith.constant 0 : i32
      %sign3A_58 = arith.cmpi sgt, %add3A_56, %sign3A : i32
      %sign3A_59 = arith.extui %sign3A_58 : i1 to i32
      %sign3A_60 = arith.constant 0 : i32
      %sign3A_61 = arith.cmpi slt, %add3A_56, %sign3A_60 : i32
      %sign3A_62 = arith.extui %sign3A_61 : i1 to i32
      %sign3A_63 = arith.subi %sign3A_59, %sign3A_62 : i32
      %sign3A_64 = arith.constant 0 : i32
      %sign3A_65 = arith.cmpi sgt, %jit3A_57, %sign3A_64 : i32
      %sign3A_66 = arith.extui %sign3A_65 : i1 to i32
      %sign3A_67 = arith.constant 0 : i32
      %sign3A_68 = arith.cmpi slt, %jit3A_57, %sign3A_67 : i32
      %sign3A_69 = arith.extui %sign3A_68 : i1 to i32
      %sign3A_70 = arith.subi %sign3A_66, %sign3A_69 : i32
      %ne3A = arith.cmpi ne, %sign3A_63, %sign3A_70 : i32
      %rem3A = arith.remsi %add3A_56, %jit3A_57 : i32
      %ne3A_71 = arith.constant 0 : i32
      %ne3A_72 = arith.cmpi ne, %rem3A, %ne3A_71 : i32
      %and3A_73 = arith.andi %ne3A, %ne3A_72 : i1
      %sub3A_74 = arith.constant 1 : i32
      %sub3A_75 = arith.subi %div3A, %sub3A_74 : i32
      %select_n3A_76 = arith.select %and3A_73, %sub3A_75, %div3A : i32
      %ge3A = vector.broadcast %select_n3A_76 : i32 to vector<128x128xi32>
      %ge3A_77 = arith.cmpi sge, %bitcast_convert_type3A, %ge3A : vector<128x128xi32>
      %convert_element_type3A_78 = arith.extui %ge3A_77 : vector<128x128xi1> to vector<128x128xi32>
      %reduce_sum3A_79 = vector.shape_cast %convert_element_type3A_78 : vector<128x128xi32> to vector<1x128x128xi32>
      %reduce_sum3A_80 = arith.constant dense<0> : vector<1xi32>
      %reduce_sum3A_81 = vector.multi_reduction <add>, %reduce_sum3A_79, %reduce_sum3A_80 [1, 2] : vector<1x128x128xi32> to vector<1xi32>
      %reduce_sum3A_82 = vector.shape_cast %reduce_sum3A_81 : vector<1xi32> to vector<1x1x1xi32>
      %reduce_sum3A_83 = vector.extract %reduce_sum3A_82[0, 0, 0] : i32 from vector<1x1x1xi32>
      %ge3A_84 = arith.constant 2000 : i32
      %ge3A_85 = arith.cmpi sge, %reduce_sum3A_83, %ge3A_84 : i32
      %select_n3A_86 = arith.select %ge3A_85, %select_n3A_76, %scan3A_54 : i32
      %select_n3A_87 = arith.select %ge3A_85, %scan3A_55, %select_n3A_76 : i32
      scf.yield %select_n3A_86, %select_n3A_87 : i32, i32
    }
    %gt3A = vector.broadcast %scan3A_13#0 : i32 to vector<128x128xi32>
    %gt3A_14 = arith.cmpi sgt, %bitcast_convert_type3A, %gt3A : vector<128x128xi32>
    %convert_element_type3A = arith.extui %gt3A_14 : vector<128x128xi1> to vector<128x128xi32>
    %reduce_sum3A = vector.shape_cast %convert_element_type3A : vector<128x128xi32> to vector<1x128x128xi32>
    %reduce_sum3A_15 = arith.constant dense<0> : vector<1xi32>
    %reduce_sum3A_16 = vector.multi_reduction <add>, %reduce_sum3A, %reduce_sum3A_15 [1, 2] : vector<1x128x128xi32> to vector<1xi32>
    %reduce_sum3A_17 = vector.shape_cast %reduce_sum3A_16 : vector<1xi32> to vector<1x1x1xi32>
    %reduce_sum3A_18 = vector.extract %reduce_sum3A_17[0, 0, 0] : i32 from vector<1x1x1xi32>
    %sub3A = arith.constant 2000 : i32
    %sub3A_19 = arith.subi %sub3A, %reduce_sum3A_18 : i32
    %convert_element_type3A_20 = arith.sitofp %sub3A_19 : i32 to f32
    %eq3A = vector.broadcast %scan3A_13#0 : i32 to vector<128x128xi32>
    %eq3A_21 = arith.cmpi eq, %bitcast_convert_type3A, %eq3A : vector<128x128xi32>
    %convert_element_type3A_22 = arith.extui %eq3A_21 : vector<128x128xi1> to vector<128x128xi32>
    %convert_element_type3A_23 = arith.sitofp %convert_element_type3A_22 : vector<128x128xi32> to vector<128x128xf32>
    %iota3A = tpu.iota {dimensions = array<i32: 0>} : vector<128x128xi32>
    %iota3A_24 = tpu.iota {dimensions = array<i32: 1>} : vector<128x128xi32>
    %le3A = arith.cmpi sle, %iota3A, %iota3A_24 : vector<128x128xi32>
    %convert_element_type3A_25 = arith.extui %le3A : vector<128x128xi1> to vector<128x128xi32>
    %convert_element_type3A_26 = arith.sitofp %convert_element_type3A_25 : vector<128x128xi32> to vector<128x128xf32>
    %lt3A = arith.cmpi slt, %iota3A_24, %iota3A : vector<128x128xi32>
    %convert_element_type3A_27 = arith.extui %lt3A : vector<128x128xi1> to vector<128x128xi32>
    %convert_element_type3A_28 = arith.sitofp %convert_element_type3A_27 : vector<128x128xi32> to vector<128x128xf32>
    %broadcast_in_dim3A = arith.constant 1.000000e+00 : f32
    %broadcast_in_dim3A_29 = vector.broadcast %broadcast_in_dim3A : f32 to vector<128x128xf32>
    %dot_general3A = arith.constant dense<0.000000e+00> : vector<128x128xf32>
    %dot_general3A_30 = tpu.matmul %convert_element_type3A_23, %convert_element_type3A_26, %dot_general3A {dimension_numbers = #tpu.dot_dimension_numbers<[1], [0], [0], [1], [0, 0, 1, 1], [], []>, precision = #tpu.contract_precision<fp32>, transpose_lhs_hint = false} : vector<128x128xf32>, vector<128x128xf32>, vector<128x128xf32> -> vector<128x128xf32>
    %dot_general3A_31 = arith.constant dense<0.000000e+00> : vector<128x128xf32>
    %dot_general3A_32 = tpu.matmul %convert_element_type3A_23, %broadcast_in_dim3A_29, %dot_general3A_31 {dimension_numbers = #tpu.dot_dimension_numbers<[1], [0], [0], [1], [0, 0, 1, 1], [], []>, precision = #tpu.contract_precision<fp32>, transpose_lhs_hint = false} : vector<128x128xf32>, vector<128x128xf32>, vector<128x128xf32> -> vector<128x128xf32>
    %dot_general3A_33 = arith.constant dense<0.000000e+00> : vector<128x128xf32>
    %dot_general3A_34 = tpu.matmul %convert_element_type3A_28, %dot_general3A_32, %dot_general3A_33 {dimension_numbers = #tpu.dot_dimension_numbers<[1], [0], [0], [1], [0, 0, 1, 1], [], []>, precision = #tpu.contract_precision<fp32>, transpose_lhs_hint = false} : vector<128x128xf32>, vector<128x128xf32>, vector<128x128xf32> -> vector<128x128xf32>
    %sub3A_35 = arith.subf %dot_general3A_30, %convert_element_type3A_23 : vector<128x128xf32>
    %add3A = arith.addf %sub3A_35, %dot_general3A_34 : vector<128x128xf32>
    %gt3A_36 = vector.broadcast %scan3A_13#0 : i32 to vector<128x128xi32>
    %gt3A_37 = arith.cmpi sgt, %bitcast_convert_type3A, %gt3A_36 : vector<128x128xi32>
    %eq3A_38 = vector.broadcast %scan3A_13#0 : i32 to vector<128x128xi32>
    %eq3A_39 = arith.cmpi eq, %bitcast_convert_type3A, %eq3A_38 : vector<128x128xi32>
    %lt3A_40 = vector.broadcast %convert_element_type3A_20 : f32 to vector<128x128xf32>
    %lt3A_41 = arith.cmpf olt, %add3A, %lt3A_40 : vector<128x128xf32>
    %and3A = arith.andi %eq3A_39, %lt3A_41 : vector<128x128xi1>
    %or3A = arith.ori %gt3A_37, %and3A : vector<128x128xi1>
    %jit3A = arith.constant -1.000000e+00 : f32
    %broadcast_in_dim3A_42 = vector.broadcast %jit3A : f32 to vector<128x128xf32>
    %select_n3A = arith.select %or3A, %get3A_1, %broadcast_in_dim3A_42 : vector<128x128xi1>, vector<128x128xf32>
    %swap3A = arith.constant 0 : index
    %swap3A_43 = arith.constant 0 : index
    %swap3A_44 = vector.load %arg4[%swap3A, %swap3A_43] : memref<128x128xf32, #tpu.memory_space<vmem>>, vector<128x128xf32>
    tpu.vector_store %arg4[%swap3A, %swap3A_43], %select_n3A {strides = array<i32>} : memref<128x128xf32, #tpu.memory_space<vmem>>, vector<128x128xf32>,
    %mul3A = arith.constant 128 : i32
    %mul3A_45 = vector.broadcast %mul3A : i32 to vector<128x128xi32>
    %mul3A_46 = arith.muli %iota3A, %mul3A_45 : vector<128x128xi32>
    %add3A_47 = arith.addi %mul3A_46, %iota3A_24 : vector<128x128xi32>
    %scan3A_48 = arith.constant 0 : i32
    %scan3A_49 = arith.constant 500 : i32
    %scan3A_50 = arith.addi %scan3A_48, %scan3A_49 : i32
    %scan3A_51 = arith.constant 1 : i32
    scf.for %scan3A_53 = %scan3A_48 to %scan3A_50 step %scan3A_51  : i32 {
      %get3A_54 = arith.constant 0 : index
      %get3A_55 = arith.constant 0 : index
      %get3A_56 = vector.load %arg4[%get3A_54, %get3A_55] : memref<128x128xf32, #tpu.memory_space<vmem>>, vector<128x128xf32>
      %reduce_max3A = vector.shape_cast %get3A_56 : vector<128x128xf32> to vector<1x128x128xf32>
      %reduce_max3A_57 = arith.constant dense<0xFF800000> : vector<1xf32>
      %reduce_max3A_58 = vector.multi_reduction <maximumf>, %reduce_max3A, %reduce_max3A_57 [1, 2] : vector<1x128x128xf32> to vector<1xf32>
      %reduce_max3A_59 = vector.shape_cast %reduce_max3A_58 : vector<1xf32> to vector<1x1x1xf32>
      %reduce_max3A_60 = vector.extract %reduce_max3A_59[0, 0, 0] : f32 from vector<1x1x1xf32>
      %eq3A_61 = vector.broadcast %reduce_max3A_60 : f32 to vector<128x128xf32>
      %eq3A_62 = arith.cmpf oeq, %get3A_56, %eq3A_61 : vector<128x128xf32>
      %jit3A_63 = arith.constant 1073741824 : i32
      %broadcast_in_dim3A_64 = vector.broadcast %jit3A_63 : i32 to vector<128x128xi32>
      %select_n3A_65 = arith.select %eq3A_62, %add3A_47, %broadcast_in_dim3A_64 : vector<128x128xi1>, vector<128x128xi32>
      %reduce_min3A = vector.shape_cast %select_n3A_65 : vector<128x128xi32> to vector<1x128x128xi32>
      %reduce_min3A_66 = arith.constant dense<2147483647> : vector<1xi32>
      %reduce_min3A_67 = vector.multi_reduction <minsi>, %reduce_min3A, %reduce_min3A_66 [1, 2] : vector<1x128x128xi32> to vector<1xi32>
      %reduce_min3A_68 = vector.shape_cast %reduce_min3A_67 : vector<1xi32> to vector<1x1x1xi32>
      %reduce_min3A_69 = vector.extract %reduce_min3A_68[0, 0, 0] : i32 from vector<1x1x1xi32>
      %eq3A_70 = vector.broadcast %reduce_min3A_69 : i32 to vector<128x128xi32>
      %eq3A_71 = arith.cmpi eq, %add3A_47, %eq3A_70 : vector<128x128xi32>
      %jit3A_72 = arith.constant 0.000000e+00 : f32
      %broadcast_in_dim3A_73 = vector.broadcast %jit3A_72 : f32 to vector<128x128xf32>
      %select_n3A_74 = arith.select %eq3A_71, %get3A_4, %broadcast_in_dim3A_73 : vector<128x128xi1>, vector<128x128xf32>
      %reduce_sum3A_75 = vector.shape_cast %select_n3A_74 : vector<128x128xf32> to vector<1x128x128xf32>
      %reduce_sum3A_76 = arith.constant dense<0.000000e+00> : vector<1xf32>
      %reduce_sum3A_77 = vector.multi_reduction <add>, %reduce_sum3A_75, %reduce_sum3A_76 [1, 2] : vector<1x128x128xf32> to vector<1xf32>
      %reduce_sum3A_78 = vector.shape_cast %reduce_sum3A_77 : vector<1xf32> to vector<1x1x1xf32>
      %reduce_sum3A_79 = vector.extract %reduce_sum3A_78[0, 0, 0] : f32 from vector<1x1x1xf32>
      %jit3A_80 = arith.constant 0.000000e+00 : f32
      %broadcast_in_dim3A_81 = vector.broadcast %jit3A_80 : f32 to vector<128x128xf32>
      %select_n3A_82 = arith.select %eq3A_71, %get3A_7, %broadcast_in_dim3A_81 : vector<128x128xi1>, vector<128x128xf32>
      %reduce_sum3A_83 = vector.shape_cast %select_n3A_82 : vector<128x128xf32> to vector<1x128x128xf32>
      %reduce_sum3A_84 = arith.constant dense<0.000000e+00> : vector<1xf32>
      %reduce_sum3A_85 = vector.multi_reduction <add>, %reduce_sum3A_83, %reduce_sum3A_84 [1, 2] : vector<1x128x128xf32> to vector<1xf32>
      %reduce_sum3A_86 = vector.shape_cast %reduce_sum3A_85 : vector<1xf32> to vector<1x1x1xf32>
      %reduce_sum3A_87 = vector.extract %reduce_sum3A_86[0, 0, 0] : f32 from vector<1x1x1xf32>
      %sub3A_88 = vector.broadcast %reduce_sum3A_79 : f32 to vector<128x128xf32>
      %sub3A_89 = arith.subf %get3A_4, %sub3A_88 : vector<128x128xf32>
      %sub3A_90 = vector.broadcast %reduce_sum3A_87 : f32 to vector<128x128xf32>
      %sub3A_91 = arith.subf %get3A_7, %sub3A_90 : vector<128x128xf32>
      %mul3A_92 = arith.mulf %sub3A_89, %sub3A_89 : vector<128x128xf32>
      %mul3A_93 = arith.mulf %sub3A_91, %sub3A_91 : vector<128x128xf32>
      %add3A_94 = arith.addf %mul3A_92, %mul3A_93 : vector<128x128xf32>
      %le3A_95 = arith.constant 1.210000e+00 : f32
      %le3A_96 = vector.broadcast %le3A_95 : f32 to vector<128x128xf32>
      %le3A_97 = arith.cmpf ole, %add3A_94, %le3A_96 : vector<128x128xf32>
      %jit3A_98 = arith.constant -1.000000e+00 : f32
      %broadcast_in_dim3A_99 = vector.broadcast %jit3A_98 : f32 to vector<128x128xf32>
      %select_n3A_100 = arith.select %le3A_97, %broadcast_in_dim3A_99, %get3A_56 : vector<128x128xi1>, vector<128x128xf32>
      %swap3A_101 = arith.constant 0 : index
      %swap3A_102 = arith.constant 0 : index
      %swap3A_103 = vector.load %arg4[%swap3A_101, %swap3A_102] : memref<128x128xf32, #tpu.memory_space<vmem>>, vector<128x128xf32>
      tpu.vector_store %arg4[%swap3A_101, %swap3A_102], %select_n3A_100 {strides = array<i32>} : memref<128x128xf32, #tpu.memory_space<vmem>>, vector<128x128xf32>,
      %gt3A_104 = arith.constant 0.000000e+00 : f32
      %gt3A_105 = arith.cmpf ogt, %reduce_max3A_60, %gt3A_104 : f32
      %jit3A_106 = arith.constant -1.000000e+00 : f32
      %select_n3A_107 = arith.select %gt3A_105, %reduce_max3A_60, %jit3A_106 : f32
      %mul3A_108 = arith.constant 4.000000e+00 : f32
      %mul3A_109 = arith.mulf %reduce_sum3A_79, %mul3A_108 : f32
      %jit3A_110 = arith.constant -1.000000e+00 : f32
      %select_n3A_111 = arith.select %gt3A_105, %mul3A_109, %jit3A_110 : f32
      %mul3A_112 = arith.constant 4.000000e+00 : f32
      %mul3A_113 = arith.mulf %reduce_sum3A_87, %mul3A_112 : f32
      %jit3A_114 = arith.constant -1.000000e+00 : f32
      %select_n3A_115 = arith.select %gt3A_105, %mul3A_113, %jit3A_114 : f32
      %iota3A_116 = tpu.iota {dimensions = array<i32: 1>} : vector<1x128xi32>
      %eq3A_117 = arith.constant 0 : i32
      %eq3A_118 = vector.broadcast %eq3A_117 : i32 to vector<1x128xi32>
      %eq3A_119 = arith.cmpi eq, %iota3A_116, %eq3A_118 : vector<1x128xi32>
      %eq3A_120 = arith.constant 1 : i32
      %eq3A_121 = vector.broadcast %eq3A_120 : i32 to vector<1x128xi32>
      %eq3A_122 = arith.cmpi eq, %iota3A_116, %eq3A_121 : vector<1x128xi32>
      %broadcast_in_dim3A_123 = vector.broadcast %select_n3A_111 : f32 to vector<1x128xf32>
      %broadcast_in_dim3A_124 = vector.broadcast %select_n3A_115 : f32 to vector<1x128xf32>
      %select_n3A_125 = arith.select %eq3A_122, %broadcast_in_dim3A_123, %broadcast_in_dim3A_124 : vector<1x128xi1>, vector<1x128xf32>
      %broadcast_in_dim3A_126 = vector.broadcast %select_n3A_107 : f32 to vector<1x128xf32>
      %select_n3A_127 = arith.select %eq3A_119, %broadcast_in_dim3A_126, %select_n3A_125 : vector<1x128xi1>, vector<1x128xf32>
      %swap3A_128 = arith.index_cast %scan3A_53 : i32 to index
      %swap3A_129 = arith.constant 0 : index
      %swap3A_130 = vector.load %arg3[%swap3A_128, %swap3A_129] : memref<512x128xf32, #tpu.memory_space<vmem>>, vector<1x128xf32>
      tpu.vector_store %arg3[%swap3A_128, %swap3A_129], %select_n3A_127 {strides = array<i32>} : memref<512x128xf32, #tpu.memory_space<vmem>>, vector<1x128xf32>,
    }
    %scan3A_52 = arith.constant 500 : i32
    return
  }
}

</mosaic_0001>

<sc_bundles>
// kernel: kernel.6.cloned.1.call-start
scs
__scs_entry_jumppad:
0x0: {  	(pc) =	sbr.rel $0x88, $3  }
0x1: {  	(tag) =	ssettag $0x0;
	lr =	simm.s32 $0x1  }
0x2: {  	[smem:$0x3F9C] =	sst lr;
	_ =	strace $0xD0000000  }
0x3: {  	_ = 	snop  }
0x4: {  	_ = 	snop  }
0x5: {  	_ = 	snop  }
0x6: {  	_ = 	snop  }
0x7: {  	_ = 	snop  }
__scs_overlays_trampoline_lowered:
0x8: {  	[smem:$0x3FAB] =	sst s0  }
0x9: {  	[smem:$0x3FAC] =	sst s1  }
0xa: {  	[smem:$0x3FAD] =	sst s2  }
0xb: {  	[smem:$0x3FAE] =	sst s3  }
0xc: {  	[smem:$0x3FAF] =	sst s4  }
0xd: {  	[smem:$0x3FB0] =	sst s5  }
0xe: {  	[smem:$0x3FB1] =	sst s6  }
0xf: {  	[smem:$0x3FB2] =	sst s7  }
0x10: {  	[smem:$0x3FB3] =	sst s8  }
0x11: {  	[smem:$0x3FB4] =	sst s9;
	s0 =	simm.s32 @!p0 $0x0  }
0x12: {  	s1 =	sld [smem:$0x3F9A];
	s0 =	simm.s32 @p0 $0x1  }
0x13: {  	[smem:$0x3FB5] =	sst s0;
	s0 =	simm.s32 @!p1 $0x0  }
0x14: {  	s2 =	sld [smem:$0x3F99];
	s0 =	simm.s32 @p1 $0x1  }
0x15: {  	[smem:$0x3FB6] =	sst s0;
	s0 =	simm.s32 @!p2 $0x0  }
0x16: {  	s3 =	sld [smem:$0x3FDB];
	s0 =	simm.s32 @p2 $0x1  }
0x17: {  	s4 =	simm.s32 $0x1BF5;
	[smem:$0x3FB8] =	sst s0  }
0x18: {  	s0 =	sld [smem:$0x3F9B];
	_ =	swait.ge [sflag:s4], $0x0  }
0x19: {  	s7 =	sld [smem:$0x3F9C]  }
0x1a: {  	s8 =	sadd.s32 $0xFFFFE003, lr  }
0x1b: {  	s9 =	sadd.s32 $0xFFFFFEF7, lr;
	s5 =	simm.s32 $0xFFFFFFFF;
	p2 =	slt.u32 s8, $0xFFFFF086  }
0x1c: {  	p1 =	slt.u32 s9, $0xF7A;
	s5 =	simm.s32 @!p2 $0x0  }
0x1d: {  	s5 =	simm.s32 @p1 $0x1;
	p0 =	seq.s32 s7, s2  }
0x1e: {  	s7 =	smul.u32 @!p0 $0xF7A, s2;
	p2 =	seq.s32 @!p0 s5, $0x0  }
0x1f: {  	s9 =	smul.u32 $0xF7A, s1;
	s8 =	simm.s32 @!p0 $0x1BF5;
	p2 =	por !p2, p0  }
0x20: {  	[sflag:s8] =	ssyncset.s32 @!p0 $0xFFFFF086;
	s6 =	sadd.s32 @!p0 s3, s7;
	s7 =	simm.s32 @!p0 $0x108  }
0x21: {  	s3 =	sadd.s32 s3, s9;
	s6 =	sadd.s32 @!p0 $0x88, s6;
	s7 =	simm.s32 @p2 $0x1082  }
0x22: {  	[simem:s7], [sflag:s8] =	dma.local @!p0 [hbm:s6], $0xF7A  }
0x23: {  	s9 =	sor.u32 $0xD0000000, s2;
	s6 =	simm.s32 $0x108;
	_ =	swait.ge @!p0 [sflag:s8], $0x0  }
0x24: {  	s3 =	sadd.s32 $0x88, s3;
	s6 =	simm.s32 @!p1 $0x1082;
	[sflag:s4] =	ssyncset.s32 $0xFFFFF086  }
0x25: {  	[simem:s6], [sflag:s4] =	dma.local [hbm:s3], $0xF7A  }
0x26: {  	[smem:$0x3F9C] =	sst s1;
	(tag) =	ssettag s2;
	_ =	strace s9  }
0x27: {  	s1 =	sld [smem:$0x3FAC]  }
0x28: {  	s2 =	sld [smem:$0x3FAD]  }
0x29: {  	s4 =	sld [smem:$0x3FAF]  }
0x2a: {  	p0 =	seq.s32 s5, $0x0;
	s5 =	sld [smem:$0x3FB0]  }
0x2b: {  	s6 =	sld [smem:$0x3FB1]  }
0x2c: {  	s7 =	sld [smem:$0x3FB2]  }
0x2d: {  	s3 =	simm.s32 $0x108;
	s8 =	sld [smem:$0x3FB3]  }
0x2e: {  	s3 =	simm.s32 @!p0 $0x1082;
	s9 =	sld [smem:$0x3FB4]  }
0x2f: {  	lr =	sadd.s32 s0, s3;
	s0 =	sld [smem:$0x3FAB]  }
0x30: {  	s3 =	sld [smem:$0x3FAE]  }
0x31: {  	[smem:$0x3FB7] =	sst s10  }
0x32: {  	s10 =	sld [smem:$0x3FB5];
	_ =	sdelay $0x3  }
0x33: {  	p0 =	seq.s32 s10, $0x1;
	s10 =	sld [smem:$0x3FB7];
	_ =	sdelay $0x3  }
0x34: {  	[smem:$0x3FB7] =	sst s10  }
0x35: {  	s10 =	sld [smem:$0x3FB6];
	_ =	sdelay $0x3  }
0x36: {  	p1 =	seq.s32 s10, $0x1;
	s10 =	sld [smem:$0x3FB7];
	_ =	sdelay $0x3  }
0x37: {  	[smem:$0x3FB7] =	sst s10  }
0x38: {  	s10 =	sld [smem:$0x3FB8]  }
0x39: {  	_ = 	snop;
	(pc) =	sbr.ind lr, $3  }
0x3a: {  	_ = 	snop  }
0x3b: {  	_ = 	snop  }
0x3c: {  	p2 =	seq.s32 s10, $0x1;
	s10 =	sld [smem:$0x3FB7]  }
0x3d: {  	_ =	shalt  }
0x3e: {  	_ =	shalt  }
0x3f: {  	_ =	shalt  }
0x40: {  	_ =	shalt  }
0x41: {  	_ =	shalt  }
0x42: {  	_ =	shalt  }
0x43: {  	_ =	shalt  }
0x44: {  	_ =	shalt  }
0x45: {  	_ =	shalt  }
0x46: {  	_ =	shalt  }
0x47: {  	_ =	shalt  }
0x48: {  	_ =	shalt  }
0x49: {  	_ =	shalt  }
0x4a: {  	_ =	shalt  }
0x4b: {  	_ =	shalt  }
0x4c: {  	_ =	shalt  }
0x4d: {  	_ =	shalt  }
0x4e: {  	_ =	shalt  }
0x4f: {  	_ =	shalt  }
0x50: {  	_ =	shalt  }
0x51: {  	_ =	shalt  }
0x52: {  	_ =	shalt  }
0x53: {  	_ =	shalt  }
0x54: {  	_ =	shalt  }
0x55: {  	_ =	shalt  }
0x56: {  	_ =	shalt  }
0x57: {  	_ =	shalt  }
0x58: {  	_ =	shalt  }
0x59: {  	_ =	shalt  }
0x5a: {  	_ =	shalt  }
0x5b: {  	_ =	shalt  }
0x5c: {  	_ =	shalt  }
0x5d: {  	_ =	shalt  }
0x5e: {  	_ =	shalt  }
0x5f: {  	_ =	shalt  }
0x60: {  	_ =	shalt  }
0x61: {  	_ =	shalt  }
0x62: {  	_ =	shalt  }
0x63: {  	_ =	shalt  }
0x64: {  	_ =	shalt  }
0x65: {  	_ =	shalt  }
0x66: {  	_ =	shalt  }
0x67: {  	_ =	shalt  }
0x68: {  	_ =	shalt  }
0x69: {  	_ =	shalt  }
0x6a: {  	_ =	shalt  }
0x6b: {  	_ =	shalt  }
0x6c: {  	_ =	shalt  }
0x6d: {  	_ =	shalt  }
0x6e: {  	_ =	shalt  }
0x6f: {  	_ =	shalt  }
0x70: {  	_ =	shalt  }
0x71: {  	_ =	shalt  }
0x72: {  	_ =	shalt  }
0x73: {  	_ =	shalt  }
0x74: {  	_ =	shalt  }
0x75: {  	_ =	shalt  }
0x76: {  	_ =	shalt  }
0x77: {  	_ =	shalt  }
0x78: {  	_ =	shalt  }
0x79: {  	_ =	shalt  }
0x7a: {  	_ =	shalt  }
0x7b: {  	_ =	shalt  }
0x7c: {  	_ =	shalt  }
0x7d: {  	_ =	shalt  }
0x7e: {  	_ =	shalt  }
0x7f: {  	_ =	shalt  }
0x80: {  	_ =	shalt  }
0x81: {  	_ =	shalt  }
0x82: {  	_ =	shalt  }
0x83: {  	_ =	shalt  }
0x84: {  	_ =	shalt  }
0x85: {  	_ =	shalt  }
0x86: {  	_ =	shalt  }
0x87: {  	_ =	shalt  }
.Lfunc_end0:
.L_simem_size_0:
called_computation_lowered:
.L_overlay_start_0:
0x88: {  	s2 =	sld [smem:$0x3FD9]  }
0x89: {  	s3 =	sld [smem:$0x3FFE];
	_ =	sdelay $0x1  }
0x8a: {  	s1 =	srdreg.scid  }
0x8b: {  	s0 =	sand.u32 $0x1, s1  }
0x8c: {  	s16 =	sshll.u32 s0, $0xA;
	s2 =	sadd.s32 s3, s2  }
0x8d: {  	s2 =	sadd.s32 s2, s16  }
0x8e: {  	[smem:$0x3FC3] =	sst s2  }
0x8f: {  	_ = 	snop  }
0x90: {  	(tm) =	ssettm $0x1  }
0x91: {  	s17 =	sld [smem:$0x3FFB];
	_ =	sdelay $0x3  }
0x92: {  	_ =	strace s17  }
0x93: {  	s2 =	sld [smem:$0x3FFC];
	_ =	sdelay $0x3  }
0x94: {  	_ =	strace s2  }
0x95: {  	s2 =	sld [smem:$0x3FFD];
	_ =	sdelay $0x3  }
0x96: {  	_ =	strace s2  }
0x97: {  	_ =	strace $0x8FFFFFFF  }
0x98: {  	s18 =	sld [smem:$0x3FDB];
	_ =	sdelay $0x1  }
0x99: {  	s19 =	simm.s32 $_scs_section_size  }
0x9a: {  	s4 =	simm.s32 $_size__tile_overlayer_lowered;
	s5 =	simm.s32 $_tile_overlayer_lowered  }
0x9b: {  	s22 =	simm.s32 $0x1BFF;
	s21 =	sshll.u32 s5, $0x1;
	s2 =	sadd.s32 s19, s18  }
0x9c: {  	s6 =	simm.s32 $0x0;
	s20 =	sshll.u32 s4, $0x1;
	s4 =	sadd.s32 s21, s2  }
0x9d: {  	[timem:s6], [sflag:s22] =	dma.local [hbm:s4], s20  }
0x9e: {  	_ =	swait.ge [sflag:s22], s20  }
0x9f: {  	s3 =	ssub.s32 $0x0, s20;
	[sflag:s22] =	ssyncset.done $0x0  }
0xa0: {  	[sflag:s22] =	ssyncadd.s32 s3;
	_ =	sdelay $0x1  }
0xa1: {  	s23 =	simm.s32 $0x1B8B  }
0xa2: {  	_ =	swait.ge [sflag:s23], $0x1  }
0xa3: {  	[sflag:s23] =	ssyncset.done $0x0  }
0xa4: {  	s25 =	simm.s32 $0x1B8E;
	s24 =	sld [smem:$0x3FFE];
	[sflag:s23] =	ssyncadd.s32 $0xFFFFFFFF  }
0xa5: {  	s26 =	simm.s32 $execute0_lowered;
	[smem:$0x3FD2] =	sst s25  }
0xa6: {  	s4 =	sshll.u32 s26, $0x1;
	_ =	strace $0x80000046;
	[dreg:$0x1] =	wrdreg $0xFFFFFFFF  }
0xa7: {  	s28 =	simm.s32 $_size_execute0_lowered;
	s2 =	sadd.s32 s2, s4;
	[dreg:$0x0] =	wrdreg $0x0  }
0xa8: {  	s4 =	sshll.u32 s28, $0x1;
	[dreg:$0x2] =	wrdreg s2  }
0xa9: {  	[dreg:$0x3] =	wrdreg s4  }
0xaa: {  	[dreg:$0x4] =	wrdreg $0xC0  }
0xab: {  	_ =	task [dreg:s6], $0x5FFFF  }
0xac: {  	[dreg:$0x1] =	wrdreg $0xFFFFFFFF  }
0xad: {  	[dreg:$0x0] =	wrdreg $0x60  }
0xae: {  	[dreg:$0x2] =	wrdreg s24  }
0xaf: {  	[dreg:$0x3] =	wrdreg $0x9  }
0xb0: {  	_ =	task.clear_ibuf [dreg:s6], $0x4FFFF;
	_ =	strace $0x90000046  }
0xb1: {  	s29 =	simm.s32 $0x9;
	_ =	strace $0x80000048  }
0xb2: {  	_ =	swait.ge [sflag:s29], $0x1  }
0xb3: {  	[sflag:s29] =	ssyncadd.s32 $0xFFFFFFFF  }
0xb4: {  	_ =	strace $0x90000048  }
0xb5: {  	_ =	sfence  }
0xb6: {  	s30 =	sld [smem:$0x0];
	_ =	sdelay $0x2  }
0xb7: {  	s31 =	sshll.u32 s1, $0xD;
	s1 =	sshrl.u32 s1, $0x2  }
0xb8: {  	s3 =	sand.u32 $0x4000, s31;
	s1 =	sadd.s32 s1, s30  }
0xb9: {  	s0 =	sor.u32 s3, s0;
	s1 =	sshll.u32 s1, $0x11  }
0xba: {  	s0 =	sor.u32 s1, s0  }
0xbb: {  	s0 =	sadd.s32 $0x8F2B, s0  }
0xbc: {  	[sflag:s0] =	ssyncadd.remote.s32 $0x1  }
0xbd: {  	_ =	sfence.sel $0xFFFF  }
0xbe: {  	[dreg:$0x0] =	wrdreg $0xFFFFFFFF;
	(pc) =	sbr.abs _section_cstart, $3  }
0xbf: {  	[dreg:$0x1] =	wrdreg $0xFFFFFFFF  }
0xc0: {  	_ =	task.clear_ibuf [dreg:s6], $0x2FFFF;
	_ =	strace $0x9FFFFFFF  }
0xc1: {  	(tm) =	ssettm $0x7FFFFFFF  }
tec
execute0_lowered:
.L_overlay_start_1:
0x0: {  	(tag) =	ssettag $0x1  }
0x1: {  	v17 =	vlaneseq.u32;
	s1 =	srdreg.scid;
	s0 =	stileid.u32  }
0x2: {  	s3 =	rddreg [dreg:$0x0];
	s2 =	simm.s32 $0x0;
	s8 =	simm.s32 $0x0;
	v0 =	vmul.u32 $0x4, v17  }
0x3: {  	v1 =	vimm.f32 $0.0e+00;
	s4 =	sand.u32 $0x1, s1;
	s5 =	sshll.u32 s0, $0x1;
	s1 =	rddreg [dreg:$0x1];
	v5 =	vmul.u32 $0x80, v17  }
0x4: {  	[smem:$0x7FF] =	sst s2;
	v17 =	vor.u32 $0x6C00, v17;
	s5 =	sor.u32 s4, s5;
	s4 =	ssub.s32 $0x2, s4;
	v2 =	vor.u32 $0x40, v0;
	v3 =	vor.u32 $0x80, v0  }
0x5: {  	s6 =	smul.u32 $0xC00, s5;
	v4 =	vor.u32 $0xC0, v0;
	s5 =	sshll.u32 s5, $0xD;
	s7 =	sshrl.u32 s4, $0x1;
	v6 =	vor.u32 $0x100, v0;
	v7 =	vor.u32 $0x140, v0  }
0x6: {  	_ =	strace $0x80000047;
	v8 =	vor.u32 $0x180, v0;
	v9 =	vor.u32 $0x1C0, v0;
	v10 =	vor.u32 $0x3800, v5;
	s5 =	sadd.s32 s5, s3;
	s7 =	ssub.s32 s4, s7  }
0x7: {  	v11 =	vor.u32 $0x3000, v5;
	v12 =	vor.u32 $0x2800, v5;
	v13 =	vor.u32 $0x2000, v5;
	s6 =	sadd.s32 s6, s3;
	s4 =	sadd.s32 $0x19C00, s5;
	s5 =	smax.u32 s7, $0x1  }
0x8: {  	v14 =	vor.u32 $0x1800, v5;
	v15 =	vor.u32 $0x1000, v5;
	v16 =	vor.u32 $0x800, v5;
	s7 =	simm.s32 $0x6C80;
	s3 =	sadd.s32 $0x1000, s6;
	s6 =	simm.s32 $0x1  }
.LBB2_1:
0x9: {  	[tilespmem:s2], [sflag:$0x1] =	stream.linear.gather [hbm4b:s3+s2], $0x6C00, $0x38;
	[tilespmem:$0x16C80] =	vst v63  }
0xa: {  	_ =	swait.ge [sflag:s6], $0x6C00  }
0xb: {  	[sflag:s6] =	ssyncset.done $0x0  }
0xc: {  	[sflag:s6] =	ssyncadd.s32 $0xFFFF9400  }
0xd: {  	s10 =	simm.s32 $0x0;
	s9 =	simm.s32 $0x400;
	[tilespmem:$0x6C00] =	vst v1  }
.LBB2_2:
0xe: {  	p0 =	sne.s32 s9, $0x3FC00;
	[tilespmem:s10+$0x6D70] =	vst v1  }
0xf: {  	[tilespmem:s10+$0x6C80] =	vst v1  }
0x10: {  	[tilespmem:s10+$0x6C90] =	vst v1  }
0x11: {  	[tilespmem:s10+$0x6CA0] =	vst v1  }
0x12: {  	[tilespmem:s10+$0x6CB0] =	vst v1  }
0x13: {  	[tilespmem:s10+$0x6CC0] =	vst v1  }
0x14: {  	[tilespmem:s10+$0x6CD0] =	vst v1  }
0x15: {  	[tilespmem:s10+$0x6CE0] =	vst v1  }
0x16: {  	[tilespmem:s10+$0x6CF0] =	vst v1  }
0x17: {  	[tilespmem:s10+$0x6D00] =	vst v1  }
0x18: {  	[tilespmem:s10+$0x6D10] =	vst v1  }
.Ltmp0:
0x19: {  	[tilespmem:s10+$0x6D20] =	vst v1;
	(pc) =	sbr.rel @p0 .LBB2_2-.Ltmp0, $4  }
0x1a: {  	[tilespmem:s10+$0x6D30] =	vst v1  }
0x1b: {  	[tilespmem:s10+$0x6D40] =	vst v1  }
0x1c: {  	[tilespmem:s10+$0x6D50] =	vst v1  }
0x1d: {  	[tilespmem:s10+$0x6D60] =	vst v1;
	s10 =	sshra.s32 s9, $0x2;
	s9 =	sadd.s32 $0x400, s9  }
0x1e: {  	[tilespmem:s10+$0x6D70] =	vst v1  }
0x1f: {  	[tilespmem:s10+$0x6C80] =	vst v1  }
0x20: {  	[tilespmem:s10+$0x6C90] =	vst v1  }
0x21: {  	[tilespmem:s10+$0x6CA0] =	vst v1  }
0x22: {  	[tilespmem:s10+$0x6CB0] =	vst v1  }
0x23: {  	[tilespmem:s10+$0x6CC0] =	vst v1  }
0x24: {  	[tilespmem:s10+$0x6CD0] =	vst v1  }
0x25: {  	[tilespmem:s10+$0x6CE0] =	vst v1  }
0x26: {  	[tilespmem:s10+$0x6CF0] =	vst v1  }
0x27: {  	[tilespmem:s10+$0x6D00] =	vst v1  }
0x28: {  	[tilespmem:s10+$0x6D10] =	vst v1  }
0x29: {  	[tilespmem:s10+$0x6D20] =	vst v1  }
0x2a: {  	[tilespmem:s10+$0x6D30] =	vst v1  }
0x2b: {  	[tilespmem:s10+$0x6D40] =	vst v1  }
0x2c: {  	[tilespmem:s10+$0x6D50] =	vst v1  }
0x2d: {  	s9 =	simm.s32 $0x0;
	[tilespmem:s10+$0x6D60] =	vst v1;
	s10 =	simm.s32 $0x0  }
.LBB2_4:
0x2e: {  	s11 =	smul.u32 $0x39, s9;
	_ =	sdelay $0x1  }
0x2f: {  	s11 =	sshrl.u32 s11, $0x9  }
0x30: {  	s24 =	smul.u32 $0xAB, s9;
	s12 =	sand.u32 $0x7F, s11  }
0x31: {  	s13 =	smul.u32 $0x9, s12  }
0x32: {  	s11 =	sshrl.u32 s24, $0x9  }
0x33: {  	s11 =	sand.u32 $0x7F, s11;
	s13 =	ssub.s32 $0x0, s13  }
0x34: {  	s15 =	sshll.u32 s10, $0x1;
	s14 =	smul.u32 $0x3, s11;
	s13 =	sand.u32 $0xFF, s13  }
0x35: {  	s25 =	sand.u32 $0x2, s15;
	s16 =	smul.u32 $0x56, s13  }
0x36: {  	s26 =	sshll.u32 s12, $0x2;
	s11 =	sand.u32 $0x2, s10;
	s14 =	ssub.s32 $0x0, s14  }
0x37: {  	v19 =	vor.u32 s25, v0;
	s28 =	sor.u32 s11, s26;
	s17 =	sand.u32 $0xFF, s14;
	s16 =	sshrl.u32 s16, $0x8  }
0x38: {  	v18 =	vadd.s32 s17, v19;
	s14 =	sadd.s32 s16, s28  }
0x39: {  	v18 =	vmul.u32 $0x3, v18;
	s14 =	smul.u32 $0x600, s14;
	_ =	sdelay $0x1  }
0x3a: {  	v29 =	vor.u32 s14, v18  }
0x3b: {  	s12 =	sshll.u32 s12, $0x7;
	s29 =	smul.u32 $0x3, s17  }
0x3c: {  	v20 =	vmov s12;
	s30 =	smul.u32 $0x9, s16;
	v18 =	vor.u32 s25, v2  }
0x3d: {  	v26 =	vshll.u32 v20, $0x7;
	v20 =	vadd.s32 s17, v18  }
0x3e: {  	v30 =	vor.u32 v5, v26;
	s12 =	sadd.s32 s29, s30;
	v20 =	vmul.u32 $0x3, v20  }
0x3f: {  	v22 =	vor.u32 s12, v30;
	v21 =	vld.idx.msk [tilespmem:v29+s2+$0x0], $0xffff  }
0x40: {  	v31 =	vadd.s32 s14, v20;
	_ =	sdelay $0x1  }
0x41: {  	v20 =	vor.u32 s25, v3  }
0x42: {  	v23 =	vadd.s32 s17, v20  }
0x43: {  	v32 =	vor.u32 v16, v26;
	[tilespmem:v22+s7+$0x0] =	vst.idx.msk $0xffff, v21;
	v21 =	vmul.u32 $0x3, v23  }
0x44: {  	v23 =	vor.u32 s12, v32;
	v22 =	vld.idx.msk [tilespmem:v31+s2+$0x0], $0xffff  }
0x45: {  	v33 =	vadd.s32 s14, v21;
	_ =	sdelay $0x1  }
0x46: {  	v21 =	vor.u32 s25, v4  }
0x47: {  	v24 =	vadd.s32 s17, v21  }
0x48: {  	v34 =	vor.u32 v15, v26;
	[tilespmem:v23+s7+$0x0] =	vst.idx.msk $0xffff, v22;
	v22 =	vmul.u32 $0x3, v24  }
0x49: {  	v24 =	vor.u32 s12, v34;
	v23 =	vld.idx.msk [tilespmem:v33+s2+$0x0], $0xffff  }
0x4a: {  	v35 =	vadd.s32 s14, v22;
	_ =	sdelay $0x1  }
0x4b: {  	v22 =	vor.u32 s25, v6  }
0x4c: {  	v25 =	vadd.s32 s17, v22  }
0x4d: {  	v36 =	vor.u32 v14, v26;
	[tilespmem:v24+s7+$0x0] =	vst.idx.msk $0xffff, v23;
	v23 =	vmul.u32 $0x3, v25  }
0x4e: {  	v25 =	vor.u32 s12, v36;
	v24 =	vld.idx.msk [tilespmem:v35+s2+$0x0], $0xffff  }
0x4f: {  	v37 =	vadd.s32 s14, v23;
	_ =	sdelay $0x1  }
0x50: {  	v23 =	vor.u32 s25, v7  }
0x51: {  	v27 =	vadd.s32 s17, v23  }
0x52: {  	v38 =	vor.u32 v13, v26;
	[tilespmem:v25+s7+$0x0] =	vst.idx.msk $0xffff, v24;
	v24 =	vmul.u32 $0x3, v27  }
0x53: {  	v27 =	vor.u32 s12, v38;
	v25 =	vld.idx.msk [tilespmem:v37+s2+$0x0], $0xffff  }
0x54: {  	v39 =	vadd.s32 s14, v24;
	_ =	sdelay $0x1  }
0x55: {  	v24 =	vor.u32 s25, v8  }
0x56: {  	v28 =	vadd.s32 s17, v24  }
0x57: {  	v40 =	vor.u32 v12, v26;
	[tilespmem:v27+s7+$0x0] =	vst.idx.msk $0xffff, v25;
	v25 =	vmul.u32 $0x3, v28  }
0x58: {  	v28 =	vor.u32 s12, v40;
	v27 =	vld.idx.msk [tilespmem:v39+s2+$0x0], $0xffff  }
0x59: {  	v41 =	vadd.s32 s14, v25  }
0x5a: {  	v25 =	vor.u32 s25, v9  }
0x5b: {  	v42 =	vadd.s32 s17, v25  }
0x5c: {  	v43 =	vmul.u32 $0x3, v42  }
0x5d: {  	[tilespmem:v28+s7+$0x0] =	vst.idx.msk $0xffff, v27;
	v27 =	vor.u32 v11, v26  }
0x5e: {  	vm0 =	vgt.u32 v42, $0x1FF;
	v28 =	vadd.s32 s14, v43;
	v44 =	vld.idx.msk [tilespmem:v41+s2+$0x0], $0xffff;
	v45 =	vor.u32 s12, v27  }
0x5f: {  	v42 =	vsel vm0, v17, v28;
	_ =	sdelay $0x3  }
0x60: {  	v26 =	vor.u32 v10, v26;
	[tilespmem:v45+s7+$0x0] =	vst.idx.msk $0xffff, v44  }
0x61: {  	v63 =	vor.u32 s12, v26;
	v42 =	vld.idx.msk [tilespmem:v42+s2+$0x0], $0xffff  }
0x62: {  	v48 =	vadd.s32 $0x1, v29;
	_ =	sdelay $0x3  }
0x63: {  	s31 =	sadd.s32 $0x1, s12;
	[tilespmem:v63+s7+$0x0] =	vst.idx.msk $0xffff, v42  }
0x64: {  	v49 =	vadd.s32 s31, v30;
	v42 =	vld.idx.msk [tilespmem:v48+s2+$0x0], $0xffff  }
0x65: {  	v50 =	vadd.s32 $0x1, v31;
	_ =	sdelay $0x3  }
0x66: {  	[tilespmem:v49+s7+$0x0] =	vst.idx.msk $0xffff, v42  }
0x67: {  	v51 =	vadd.s32 s31, v32;
	v42 =	vld.idx.msk [tilespmem:v50+s2+$0x0], $0xffff  }
0x68: {  	v52 =	vadd.s32 $0x1, v33;
	_ =	sdelay $0x3  }
0x69: {  	[tilespmem:v51+s7+$0x0] =	vst.idx.msk $0xffff, v42  }
0x6a: {  	v53 =	vadd.s32 s31, v34;
	v42 =	vld.idx.msk [tilespmem:v52+s2+$0x0], $0xffff  }
0x6b: {  	v54 =	vadd.s32 $0x1, v35;
	_ =	sdelay $0x3  }
0x6c: {  	[tilespmem:v53+s7+$0x0] =	vst.idx.msk $0xffff, v42  }
0x6d: {  	v55 =	vadd.s32 s31, v36;
	v42 =	vld.idx.msk [tilespmem:v54+s2+$0x0], $0xffff  }
0x6e: {  	v56 =	vadd.s32 $0x1, v37;
	_ =	sdelay $0x3  }
0x6f: {  	[tilespmem:v55+s7+$0x0] =	vst.idx.msk $0xffff, v42  }
0x70: {  	v57 =	vadd.s32 s31, v38;
	v42 =	vld.idx.msk [tilespmem:v56+s2+$0x0], $0xffff  }
0x71: {  	v58 =	vadd.s32 $0x1, v39;
	_ =	sdelay $0x3  }
0x72: {  	[tilespmem:v57+s7+$0x0] =	vst.idx.msk $0xffff, v42  }
0x73: {  	v59 =	vadd.s32 s31, v40;
	v42 =	vld.idx.msk [tilespmem:v58+s2+$0x0], $0xffff  }
0x74: {  	v60 =	vadd.s32 $0x1, v41;
	_ =	sdelay $0x3  }
0x75: {  	[tilespmem:v59+s7+$0x0] =	vst.idx.msk $0xffff, v42  }
0x76: {  	v61 =	vadd.s32 s31, v27;
	v62 =	vadd.s32 $0x1, v28;
	v42 =	vld.idx.msk [tilespmem:v60+s2+$0x0], $0xffff  }
0x77: {  	v44 =	vsel vm0, v17, v62;
	_ =	sdelay $0x3  }
0x78: {  	[tilespmem:v61+s7+$0x0] =	vst.idx.msk $0xffff, v42  }
0x79: {  	v63 =	vadd.s32 s31, v26;
	v42 =	vld.idx.msk [tilespmem:v44+s2+$0x0], $0xffff  }
0x7a: {  	v29 =	vadd.s32 $0x2, v29;
	_ =	sdelay $0x3  }
0x7b: {  	s14 =	sadd.s32 $0x2, s12;
	[tilespmem:v63+s7+$0x0] =	vst.idx.msk $0xffff, v42  }
0x7c: {  	v30 =	vadd.s32 s14, v30;
	v29 =	vld.idx.msk [tilespmem:v29+s2+$0x0], $0xffff  }
0x7d: {  	v31 =	vadd.s32 $0x2, v31;
	_ =	sdelay $0x3  }
0x7e: {  	[tilespmem:v30+s7+$0x0] =	vst.idx.msk $0xffff, v29  }
0x7f: {  	v30 =	vadd.s32 s14, v32;
	v29 =	vld.idx.msk [tilespmem:v31+s2+$0x0], $0xffff  }
0x80: {  	v31 =	vadd.s32 $0x2, v33;
	_ =	sdelay $0x3  }
0x81: {  	[tilespmem:v30+s7+$0x0] =	vst.idx.msk $0xffff, v29  }
0x82: {  	v30 =	vadd.s32 s14, v34;
	v29 =	vld.idx.msk [tilespmem:v31+s2+$0x0], $0xffff  }
0x83: {  	v31 =	vadd.s32 $0x2, v35;
	_ =	sdelay $0x3  }
0x84: {  	[tilespmem:v30+s7+$0x0] =	vst.idx.msk $0xffff, v29  }
0x85: {  	v30 =	vadd.s32 s14, v36;
	v29 =	vld.idx.msk [tilespmem:v31+s2+$0x0], $0xffff  }
0x86: {  	v31 =	vadd.s32 $0x2, v37;
	_ =	sdelay $0x3  }
0x87: {  	[tilespmem:v30+s7+$0x0] =	vst.idx.msk $0xffff, v29  }
0x88: {  	v30 =	vadd.s32 s14, v38;
	v29 =	vld.idx.msk [tilespmem:v31+s2+$0x0], $0xffff  }
0x89: {  	v31 =	vadd.s32 $0x2, v39;
	_ =	sdelay $0x3  }
0x8a: {  	[tilespmem:v30+s7+$0x0] =	vst.idx.msk $0xffff, v29  }
0x8b: {  	s12 =	simm.s32 $0x1;
	v30 =	vadd.s32 s14, v40;
	v29 =	vld.idx.msk [tilespmem:v31+s2+$0x0], $0xffff  }
0x8c: {  	s13 =	simm.s32 $0x2;
	s15 =	smul.u32 $0x39, s12;
	v31 =	vadd.s32 $0x2, v41  }
.LBB2_5:
0x8d: {  	p0 =	sne.s32 s13, $0x23  }
0x8e: {  	s15 =	sshrl.u32 s15, $0x9  }
0x8f: {  	s17 =	sand.u32 $0x7F, s15;
	s15 =	smul.u32 $0xAB, s12  }
0x90: {  	s16 =	smul.u32 $0x9, s17;
	[tilespmem:v30+s7+$0x0] =	vst.idx.msk $0xffff, v29  }
0x91: {  	s15 =	sshrl.u32 s15, $0x9;
	v29 =	vld.idx.msk [tilespmem:v31+s2+$0x0], $0xffff  }
0x92: {  	v27 =	vadd.s32 s14, v27;
	v28 =	vadd.s32 $0x2, v28;
	s16 =	ssub.s32 s12, s16;
	s15 =	sand.u32 $0x7F, s15  }
0x93: {  	v28 =	vsel vm0, v17, v28;
	s16 =	sand.u32 $0xFF, s16;
	s15 =	smul.u32 $0x3, s15  }
0x94: {  	s16 =	smul.u32 $0x56, s16  }
0x95: {  	s18 =	sshll.u32 s17, $0x2;
	s15 =	ssub.s32 s12, s15;
	s12 =	smov.u32 s13  }
0x96: {  	s19 =	sshrl.u32 s16, $0x8;
	s16 =	sand.u32 $0xFF, s15;
	s15 =	sor.u32 s11, s18  }
0x97: {  	s15 =	sadd.s32 s19, s15;
	v30 =	vadd.s32 s16, v19;
	[tilespmem:v27+s7+$0x0] =	vst.idx.msk $0xffff, v29  }
0x98: {  	s15 =	smul.u32 $0x600, s15;
	v27 =	vmul.u32 $0x3, v30;
	v28 =	vld.idx.msk [tilespmem:v28+s2+$0x0], $0xffff  }
0x99: {  	v26 =	vadd.s32 s14, v26  }
0x9a: {  	v29 =	vor.u32 s15, v27;
	_ =	sdelay $0x1  }
0x9b: {  	s14 =	sshll.u32 s17, $0x7;
	s17 =	smul.u32 $0x3, s16  }
0x9c: {  	v27 =	vmov s14;
	s14 =	smul.u32 $0x9, s19  }
0x9d: {  	v42 =	vshll.u32 v27, $0x7;
	v27 =	vadd.s32 s16, v18;
	[tilespmem:v26+s7+$0x0] =	vst.idx.msk $0xffff, v28  }
0x9e: {  	v30 =	vor.u32 v5, v42;
	s14 =	sadd.s32 s17, s14;
	v27 =	vmul.u32 $0x3, v27;
	v26 =	vld.idx.msk [tilespmem:v29+s2+$0x0], $0xffff  }
0x9f: {  	v28 =	vor.u32 s14, v30  }
0xa0: {  	v31 =	vadd.s32 s15, v27;
	_ =	sdelay $0x3  }
0xa1: {  	[tilespmem:v28+s7+$0x0] =	vst.idx.msk $0xffff, v26;
	v26 =	vadd.s32 s16, v20  }
0xa2: {  	v32 =	vor.u32 v16, v42;
	v27 =	vld.idx.msk [tilespmem:v31+s2+$0x0], $0xffff;
	v26 =	vmul.u32 $0x3, v26  }
0xa3: {  	v28 =	vor.u32 s14, v32  }
0xa4: {  	v33 =	vadd.s32 s15, v26;
	_ =	sdelay $0x3  }
0xa5: {  	v26 =	vadd.s32 s16, v21;
	[tilespmem:v28+s7+$0x0] =	vst.idx.msk $0xffff, v27  }
0xa6: {  	v34 =	vor.u32 v15, v42;
	v26 =	vmul.u32 $0x3, v26;
	v27 =	vld.idx.msk [tilespmem:v33+s2+$0x0], $0xffff  }
0xa7: {  	v28 =	vor.u32 s14, v34  }
0xa8: {  	v35 =	vadd.s32 s15, v26;
	_ =	sdelay $0x3  }
0xa9: {  	v26 =	vadd.s32 s16, v22;
	[tilespmem:v28+s7+$0x0] =	vst.idx.msk $0xffff, v27  }
0xaa: {  	v36 =	vor.u32 v14, v42;
	v26 =	vmul.u32 $0x3, v26;
	v27 =	vld.idx.msk [tilespmem:v35+s2+$0x0], $0xffff  }
0xab: {  	v28 =	vor.u32 s14, v36  }
0xac: {  	v37 =	vadd.s32 s15, v26;
	_ =	sdelay $0x3  }
0xad: {  	v26 =	vadd.s32 s16, v23;
	[tilespmem:v28+s7+$0x0] =	vst.idx.msk $0xffff, v27  }
0xae: {  	v38 =	vor.u32 v13, v42;
	v26 =	vmul.u32 $0x3, v26;
	v27 =	vld.idx.msk [tilespmem:v37+s2+$0x0], $0xffff  }
0xaf: {  	v28 =	vor.u32 s14, v38  }
0xb0: {  	v39 =	vadd.s32 s15, v26;
	_ =	sdelay $0x3  }
0xb1: {  	v26 =	vadd.s32 s16, v24;
	[tilespmem:v28+s7+$0x0] =	vst.idx.msk $0xffff, v27  }
0xb2: {  	v40 =	vor.u32 v12, v42;
	v26 =	vmul.u32 $0x3, v26;
	v27 =	vld.idx.msk [tilespmem:v39+s2+$0x0], $0xffff  }
0xb3: {  	v28 =	vor.u32 s14, v40  }
0xb4: {  	v41 =	vadd.s32 s15, v26;
	_ =	sdelay $0x2  }
0xb5: {  	v26 =	vadd.s32 s16, v25  }
0xb6: {  	[tilespmem:v28+s7+$0x0] =	vst.idx.msk $0xffff, v27;
	v28 =	vmul.u32 $0x3, v26  }
0xb7: {  	v27 =	vor.u32 v11, v42;
	v43 =	vld.idx.msk [tilespmem:v41+s2+$0x0], $0xffff  }
0xb8: {  	vm0 =	vgt.u32 v26, $0x1FF;
	v44 =	vor.u32 s14, v27;
	v28 =	vadd.s32 s15, v28  }
0xb9: {  	v26 =	vsel vm0, v17, v28;
	_ =	sdelay $0x3  }
0xba: {  	[tilespmem:v44+s7+$0x0] =	vst.idx.msk $0xffff, v43  }
0xbb: {  	v43 =	vld.idx.msk [tilespmem:v26+s2+$0x0], $0xffff;
	v26 =	vor.u32 v10, v42  }
0xbc: {  	v42 =	vor.u32 s14, v26  }
0xbd: {  	v44 =	vadd.s32 $0x1, v29;
	_ =	sdelay $0x3  }
0xbe: {  	[tilespmem:v42+s7+$0x0] =	vst.idx.msk $0xffff, v43  }
0xbf: {  	s15 =	sadd.s32 $0x1, s14;
	v42 =	vld.idx.msk [tilespmem:v44+s2+$0x0], $0xffff  }
0xc0: {  	v43 =	vadd.s32 s15, v30  }
0xc1: {  	v44 =	vadd.s32 $0x1, v31;
	_ =	sdelay $0x3  }
0xc2: {  	[tilespmem:v43+s7+$0x0] =	vst.idx.msk $0xffff, v42  }
0xc3: {  	v42 =	vld.idx.msk [tilespmem:v44+s2+$0x0], $0xffff  }
0xc4: {  	v43 =	vadd.s32 s15, v32  }
0xc5: {  	v44 =	vadd.s32 $0x1, v33;
	_ =	sdelay $0x3  }
0xc6: {  	[tilespmem:v43+s7+$0x0] =	vst.idx.msk $0xffff, v42  }
0xc7: {  	v42 =	vld.idx.msk [tilespmem:v44+s2+$0x0], $0xffff  }
0xc8: {  	v43 =	vadd.s32 s15, v34  }
0xc9: {  	v44 =	vadd.s32 $0x1, v35;
	_ =	sdelay $0x3  }
0xca: {  	[tilespmem:v43+s7+$0x0] =	vst.idx.msk $0xffff, v42  }
0xcb: {  	v42 =	vld.idx.msk [tilespmem:v44+s2+$0x0], $0xffff  }
0xcc: {  	v43 =	vadd.s32 s15, v36  }
0xcd: {  	v44 =	vadd.s32 $0x1, v37;
	_ =	sdelay $0x3  }
0xce: {  	[tilespmem:v43+s7+$0x0] =	vst.idx.msk $0xffff, v42  }
0xcf: {  	v42 =	vld.idx.msk [tilespmem:v44+s2+$0x0], $0xffff  }
0xd0: {  	v43 =	vadd.s32 s15, v38  }
0xd1: {  	v44 =	vadd.s32 $0x1, v39;
	_ =	sdelay $0x3  }
0xd2: {  	[tilespmem:v43+s7+$0x0] =	vst.idx.msk $0xffff, v42  }
0xd3: {  	v42 =	vld.idx.msk [tilespmem:v44+s2+$0x0], $0xffff  }
0xd4: {  	v43 =	vadd.s32 s15, v40  }
0xd5: {  	v44 =	vadd.s32 $0x1, v41;
	_ =	sdelay $0x3  }
0xd6: {  	[tilespmem:v43+s7+$0x0] =	vst.idx.msk $0xffff, v42  }
0xd7: {  	v42 =	vld.idx.msk [tilespmem:v44+s2+$0x0], $0xffff  }
0xd8: {  	v43 =	vadd.s32 s15, v27;
	v44 =	vadd.s32 $0x1, v28  }
0xd9: {  	v44 =	vsel vm0, v17, v44;
	_ =	sdelay $0x3  }
0xda: {  	[tilespmem:v43+s7+$0x0] =	vst.idx.msk $0xffff, v42  }
0xdb: {  	v42 =	vld.idx.msk [tilespmem:v44+s2+$0x0], $0xffff  }
0xdc: {  	v43 =	vadd.s32 s15, v26  }
0xdd: {  	v29 =	vadd.s32 $0x2, v29;
	_ =	sdelay $0x3  }
0xde: {  	[tilespmem:v43+s7+$0x0] =	vst.idx.msk $0xffff, v42  }
0xdf: {  	s14 =	sadd.s32 $0x2, s14;
	v29 =	vld.idx.msk [tilespmem:v29+s2+$0x0], $0xffff  }
0xe0: {  	v30 =	vadd.s32 s14, v30  }
0xe1: {  	v31 =	vadd.s32 $0x2, v31;
	_ =	sdelay $0x3  }
0xe2: {  	[tilespmem:v30+s7+$0x0] =	vst.idx.msk $0xffff, v29  }
0xe3: {  	v29 =	vld.idx.msk [tilespmem:v31+s2+$0x0], $0xffff  }
0xe4: {  	v30 =	vadd.s32 s14, v32  }
0xe5: {  	v31 =	vadd.s32 $0x2, v33;
	_ =	sdelay $0x3  }
0xe6: {  	[tilespmem:v30+s7+$0x0] =	vst.idx.msk $0xffff, v29  }
0xe7: {  	v29 =	vld.idx.msk [tilespmem:v31+s2+$0x0], $0xffff  }
0xe8: {  	v30 =	vadd.s32 s14, v34  }
0xe9: {  	v31 =	vadd.s32 $0x2, v35;
	_ =	sdelay $0x3  }
0xea: {  	[tilespmem:v30+s7+$0x0] =	vst.idx.msk $0xffff, v29  }
0xeb: {  	v29 =	vld.idx.msk [tilespmem:v31+s2+$0x0], $0xffff  }
0xec: {  	v30 =	vadd.s32 s14, v36  }
0xed: {  	v31 =	vadd.s32 $0x2, v37;
	_ =	sdelay $0x3  }
0xee: {  	[tilespmem:v30+s7+$0x0] =	vst.idx.msk $0xffff, v29  }
0xef: {  	v29 =	vld.idx.msk [tilespmem:v31+s2+$0x0], $0xffff  }
0xf0: {  	v30 =	vadd.s32 s14, v38  }
0xf1: {  	v31 =	vadd.s32 $0x2, v39;
	_ =	sdelay $0x2  }
.Ltmp1:
0xf2: {  	(pc) =	sbr.rel @p0 .LBB2_5-.Ltmp1, $4  }
0xf3: {  	[tilespmem:v30+s7+$0x0] =	vst.idx.msk $0xffff, v29  }
0xf4: {  	v29 =	vld.idx.msk [tilespmem:v31+s2+$0x0], $0xffff  }
0xf5: {  	v30 =	vadd.s32 s14, v40  }
0xf6: {  	s13 =	sadd.s32 $0x1, s13;
	s15 =	smul.u32 $0x39, s12;
	v31 =	vadd.s32 $0x2, v41  }
0xf7: {  	_ = 	snop  }
0xf8: {  	s13 =	sshrl.u32 s15, $0x9  }
0xf9: {  	s22 =	smul.u32 $0xAB, s12;
	s13 =	sand.u32 $0x7F, s13  }
0xfa: {  	s16 =	smul.u32 $0x9, s13  }
0xfb: {  	s15 =	sshrl.u32 s22, $0x9  }
0xfc: {  	[tilespmem:v30+s7+$0x0] =	vst.idx.msk $0xffff, v29;
	s15 =	sand.u32 $0x7F, s15;
	s16 =	ssub.s32 s12, s16  }
0xfd: {  	v27 =	vadd.s32 s14, v27;
	v28 =	vadd.s32 $0x2, v28;
	v29 =	vld.idx.msk [tilespmem:v31+s2+$0x0], $0xffff;
	s15 =	smul.u32 $0x3, s15;
	s16 =	sand.u32 $0xFF, s16  }
0xfe: {  	v28 =	vsel vm0, v17, v28;
	s16 =	smul.u32 $0x56, s16  }
0xff: {  	s24 =	sshll.u32 s13, $0x2;
	s23 =	ssub.s32 s12, s15  }
0x100: {  	s11 =	sor.u32 s11, s24;
	s12 =	sand.u32 $0xFF, s23;
	s16 =	sshrl.u32 s16, $0x8  }
0x101: {  	v19 =	vadd.s32 s12, v19;
	s11 =	sadd.s32 s16, s11  }
0x102: {  	[tilespmem:v27+s7+$0x0] =	vst.idx.msk $0xffff, v29;
	v19 =	vmul.u32 $0x3, v19;
	s25 =	smul.u32 $0x600, s11  }
0x103: {  	v26 =	vadd.s32 s14, v26;
	v27 =	vld.idx.msk [tilespmem:v28+s2+$0x0], $0xffff  }
0x104: {  	v19 =	vor.u32 s25, v19  }
0x105: {  	s26 =	sshll.u32 s13, $0x7;
	s28 =	smul.u32 $0x3, s12  }
0x106: {  	v56 =	vmov s26;
	s29 =	smul.u32 $0x9, s16  }
0x107: {  	v18 =	vadd.s32 s12, v18;
	v28 =	vshll.u32 v56, $0x7  }
0x108: {  	v18 =	vmul.u32 $0x3, v18;
	s11 =	sadd.s32 s28, s29;
	[tilespmem:v26+s7+$0x0] =	vst.idx.msk $0xffff, v27;
	v26 =	vor.u32 v5, v28  }
0x109: {  	v57 =	vor.u32 s11, v26;
	v27 =	vld.idx.msk [tilespmem:v19+s2+$0x0], $0xffff  }
0x10a: {  	v18 =	vadd.s32 s25, v18;
	_ =	sdelay $0x2  }
0x10b: {  	v20 =	vadd.s32 s12, v20  }
0x10c: {  	v20 =	vmul.u32 $0x3, v20;
	[tilespmem:v57+s7+$0x0] =	vst.idx.msk $0xffff, v27;
	v27 =	vor.u32 v16, v28  }
0x10d: {  	v29 =	vld.idx.msk [tilespmem:v18+s2+$0x0], $0xffff;
	v58 =	vor.u32 s11, v27  }
0x10e: {  	v20 =	vadd.s32 s25, v20;
	_ =	sdelay $0x2  }
0x10f: {  	v21 =	vadd.s32 s12, v21  }
0x110: {  	v21 =	vmul.u32 $0x3, v21;
	v59 =	vor.u32 v15, v28;
	[tilespmem:v58+s7+$0x0] =	vst.idx.msk $0xffff, v29  }
0x111: {  	v60 =	vor.u32 s11, v59;
	v30 =	vld.idx.msk [tilespmem:v20+s2+$0x0], $0xffff  }
0x112: {  	v21 =	vadd.s32 s25, v21;
	_ =	sdelay $0x2  }
0x113: {  	v22 =	vadd.s32 s12, v22  }
0x114: {  	v22 =	vmul.u32 $0x3, v22;
	v61 =	vor.u32 v14, v28;
	[tilespmem:v60+s7+$0x0] =	vst.idx.msk $0xffff, v30  }
0x115: {  	v32 =	vor.u32 s11, v61;
	v31 =	vld.idx.msk [tilespmem:v21+s2+$0x0], $0xffff  }
0x116: {  	v22 =	vadd.s32 s25, v22;
	_ =	sdelay $0x2  }
0x117: {  	v23 =	vadd.s32 s12, v23  }
0x118: {  	v23 =	vmul.u32 $0x3, v23;
	v62 =	vor.u32 v13, v28;
	[tilespmem:v32+s7+$0x0] =	vst.idx.msk $0xffff, v31  }
0x119: {  	v33 =	vor.u32 s11, v62;
	v32 =	vld.idx.msk [tilespmem:v22+s2+$0x0], $0xffff  }
0x11a: {  	v23 =	vadd.s32 s25, v23;
	_ =	sdelay $0x2  }
0x11b: {  	v24 =	vadd.s32 s12, v24  }
0x11c: {  	v24 =	vmul.u32 $0x3, v24;
	v63 =	vor.u32 v12, v28;
	[tilespmem:v33+s7+$0x0] =	vst.idx.msk $0xffff, v32  }
0x11d: {  	v34 =	vor.u32 s11, v63;
	v33 =	vld.idx.msk [tilespmem:v23+s2+$0x0], $0xffff  }
0x11e: {  	v24 =	vadd.s32 s25, v24;
	_ =	sdelay $0x1  }
0x11f: {  	v25 =	vadd.s32 s12, v25  }
0x120: {  	v35 =	vmul.u32 $0x3, v25  }
0x121: {  	v40 =	vor.u32 v11, v28;
	[tilespmem:v34+s7+$0x0] =	vst.idx.msk $0xffff, v33  }
0x122: {  	vm15 =	vgt.u32 v25, $0x1FF;
	v36 =	vor.u32 s11, v40;
	v41 =	vadd.s32 s25, v35;
	v34 =	vld.idx.msk [tilespmem:v24+s2+$0x0], $0xffff  }
0x123: {  	v35 =	vsel vm15, v17, v41;
	_ =	sdelay $0x3  }
0x124: {  	v28 =	vor.u32 v10, v28;
	[tilespmem:v36+s7+$0x0] =	vst.idx.msk $0xffff, v34  }
0x125: {  	v42 =	vor.u32 s11, v28;
	v34 =	vld.idx.msk [tilespmem:v35+s2+$0x0], $0xffff  }
0x126: {  	v43 =	vadd.s32 $0x1, v19;
	_ =	sdelay $0x3  }
0x127: {  	s30 =	sadd.s32 $0x1, s11;
	[tilespmem:v42+s7+$0x0] =	vst.idx.msk $0xffff, v34  }
0x128: {  	v44 =	vadd.s32 s30, v26;
	v34 =	vld.idx.msk [tilespmem:v43+s2+$0x0], $0xffff  }
0x129: {  	v45 =	vadd.s32 $0x1, v18;
	_ =	sdelay $0x3  }
0x12a: {  	[tilespmem:v44+s7+$0x0] =	vst.idx.msk $0xffff, v34  }
0x12b: {  	v46 =	vadd.s32 s30, v27;
	v34 =	vld.idx.msk [tilespmem:v45+s2+$0x0], $0xffff  }
0x12c: {  	v47 =	vadd.s32 $0x1, v20;
	_ =	sdelay $0x3  }
0x12d: {  	[tilespmem:v46+s7+$0x0] =	vst.idx.msk $0xffff, v34  }
0x12e: {  	v48 =	vadd.s32 s30, v59;
	v34 =	vld.idx.msk [tilespmem:v47+s2+$0x0], $0xffff  }
0x12f: {  	v49 =	vadd.s32 $0x1, v21;
	_ =	sdelay $0x3  }
0x130: {  	[tilespmem:v48+s7+$0x0] =	vst.idx.msk $0xffff, v34  }
0x131: {  	v50 =	vadd.s32 s30, v61;
	v34 =	vld.idx.msk [tilespmem:v49+s2+$0x0], $0xffff  }
0x132: {  	v51 =	vadd.s32 $0x1, v22;
	_ =	sdelay $0x3  }
0x133: {  	[tilespmem:v50+s7+$0x0] =	vst.idx.msk $0xffff, v34  }
0x134: {  	v52 =	vadd.s32 s30, v62;
	v34 =	vld.idx.msk [tilespmem:v51+s2+$0x0], $0xffff  }
0x135: {  	v53 =	vadd.s32 $0x1, v23;
	_ =	sdelay $0x3  }
0x136: {  	[tilespmem:v52+s7+$0x0] =	vst.idx.msk $0xffff, v34  }
0x137: {  	v54 =	vadd.s32 s30, v63;
	v34 =	vld.idx.msk [tilespmem:v53+s2+$0x0], $0xffff  }
0x138: {  	v55 =	vadd.s32 $0x1, v24;
	_ =	sdelay $0x3  }
0x139: {  	[tilespmem:v54+s7+$0x0] =	vst.idx.msk $0xffff, v34  }
0x13a: {  	v56 =	vadd.s32 s30, v40;
	v57 =	vadd.s32 $0x1, v41;
	v34 =	vld.idx.msk [tilespmem:v55+s2+$0x0], $0xffff  }
0x13b: {  	v36 =	vsel vm15, v17, v57;
	_ =	sdelay $0x3  }
0x13c: {  	[tilespmem:v56+s7+$0x0] =	vst.idx.msk $0xffff, v34  }
0x13d: {  	v58 =	vadd.s32 s30, v28;
	v34 =	vld.idx.msk [tilespmem:v36+s2+$0x0], $0xffff  }
0x13e: {  	v19 =	vadd.s32 $0x2, v19;
	_ =	sdelay $0x3  }
0x13f: {  	s11 =	sadd.s32 $0x2, s11;
	[tilespmem:v58+s7+$0x0] =	vst.idx.msk $0xffff, v34  }
0x140: {  	v26 =	vadd.s32 s11, v26;
	v19 =	vld.idx.msk [tilespmem:v19+s2+$0x0], $0xffff  }
0x141: {  	v18 =	vadd.s32 $0x2, v18;
	_ =	sdelay $0x3  }
0x142: {  	[tilespmem:v26+s7+$0x0] =	vst.idx.msk $0xffff, v19  }
0x143: {  	v19 =	vadd.s32 s11, v27;
	v18 =	vld.idx.msk [tilespmem:v18+s2+$0x0], $0xffff  }
0x144: {  	v20 =	vadd.s32 $0x2, v20;
	_ =	sdelay $0x3  }
0x145: {  	[tilespmem:v19+s7+$0x0] =	vst.idx.msk $0xffff, v18  }
0x146: {  	v19 =	vadd.s32 s11, v59;
	v18 =	vld.idx.msk [tilespmem:v20+s2+$0x0], $0xffff  }
0x147: {  	v59 =	vadd.s32 $0x2, v21;
	_ =	sdelay $0x3  }
0x148: {  	[tilespmem:v19+s7+$0x0] =	vst.idx.msk $0xffff, v18  }
0x149: {  	v19 =	vadd.s32 s11, v61;
	v18 =	vld.idx.msk [tilespmem:v59+s2+$0x0], $0xffff  }
0x14a: {  	v60 =	vadd.s32 $0x2, v22;
	_ =	sdelay $0x3  }
0x14b: {  	[tilespmem:v19+s7+$0x0] =	vst.idx.msk $0xffff, v18  }
0x14c: {  	v19 =	vadd.s32 s11, v62;
	v18 =	vld.idx.msk [tilespmem:v60+s2+$0x0], $0xffff  }
0x14d: {  	v61 =	vadd.s32 $0x2, v23;
	_ =	sdelay $0x3  }
0x14e: {  	[tilespmem:v19+s7+$0x0] =	vst.idx.msk $0xffff, v18  }
0x14f: {  	v19 =	vadd.s32 s11, v63;
	v18 =	vld.idx.msk [tilespmem:v61+s2+$0x0], $0xffff  }
0x150: {  	v62 =	vadd.s32 $0x2, v24;
	_ =	sdelay $0x3  }
0x151: {  	[tilespmem:v19+s7+$0x0] =	vst.idx.msk $0xffff, v18  }
0x152: {  	v63 =	vadd.s32 $0x2, v41;
	v19 =	vadd.s32 s11, v40;
	v18 =	vld.idx.msk [tilespmem:v62+s2+$0x0], $0xffff  }
0x153: {  	v20 =	vsel vm15, v17, v63;
	_ =	sdelay $0x3  }
0x154: {  	[tilespmem:v19+s7+$0x0] =	vst.idx.msk $0xffff, v18  }
0x155: {  	v19 =	vadd.s32 s11, v28;
	v18 =	vld.idx.msk [tilespmem:v20+s2+$0x0], $0xffff;
	_ =	sdelay $0x2  }
0x156: {  	s31 =	sshll.u32 s10, $0x12;
	s10 =	sadd.s32 $0x1, s10  }
0x157: {  	p0 =	sne.s32 s10, $0x4  }
.Ltmp2:
0x158: {  	s11 =	sadd.s32 s31, s4;
	[tilespmem:v19+s7+$0x0] =	vst.idx.msk $0xffff, v18;
	(pc) =	sbr.rel @p0 .LBB2_4-.Ltmp2, $4  }
0x159: {  	[hbm4b:s11+s2] =	stream.linear.scatter [tilespmem:s7], [sflag:$0x1], $0x10000, $0x38;
	[tilespmem:$0x16C80] =	vst v63  }
0x15a: {  	_ =	swait.ge [sflag:s6], $0x10000  }
0x15b: {  	[sflag:s6] =	ssyncset.done $0x0  }
0x15c: {  	[sflag:s6] =	ssyncadd.s32 $0xFFFF0000  }
0x15d: {  	s8 =	sadd.s32 $0x1, s8  }
0x15e: {  	p0 =	sne.s32 s8, s5  }
.Ltmp3:
0x15f: {  	_ = 	snop;
	(pc) =	sbr.rel @p0 .LBB2_1-.Ltmp3, $1  }
0x160: {  	_ =	sdelay $0x3  }
0x161: {  	_ =	sfence.sel $0x180000  }
0x162: {  	[bflag:$0x0] =	sbarrier.arrive $0xFFFF  }
0x163: {  	p0 =	sne.s32 s0, $0x0;
	_ =	strace $0x90000047  }
0x164: {  	s0 =	sadd.s32 @!p0 $0x100000, s1;
	[bflag:$0x2] =	sbarrier.arrive $0xFFFF  }
0x165: {  	[sflag:s0] =	ssyncadd.tile.s32 @!p0 $0x1;
	_ =	shalt  }
.Lfunc_end2:
_tile_overlayer_lowered:
.L_overlay_start_2:
0x166: {  	(tag) =	ssettag $0x2  }
0x167: {  	s0 =	rddreg [dreg:$0x0];
	s2 =	stileid.u32  }
0x168: {  	s1 =	rddreg [dreg:$0x1];
	p0 =	sne.s32 s2, $0x0  }
0x169: {  	s3 =	rddreg [dreg:$0x2];
	[bflag:$0x3] =	sbarrier.arrive $0xFFFF;
	s2 =	simm.s32 @!p0 $0x1C01  }
0x16a: {  	[timem:s3], [sflag:s2] =	dma.local @!p0 [hbm:s0], s1  }
0x16b: {  	s0 =	simm.s32 @!p0 $0x1  }
0x16c: {  	_ =	swait.ge @!p0 [sflag:s0], s1  }
0x16d: {  	s1 =	ssub.s32 @!p0 $0x0, s1;
	[sflag:s0] =	ssyncset.done @!p0 $0x0  }
0x16e: {  	[sflag:s0] =	ssyncadd.s32 @!p0 s1  }
0x16f: {  	[bflag:$0x3] =	sbarrier.arrive $0xFFFF  }
0x170: {  	_ =	shalt  }

</sc_bundles>
